<compile_context>
chip_gen: v7x
topology: tpu7x:2x2x1
jax: 0.10.2.dev20260603
libtpu: 0.0.44.dev20260713+nightly
codegen_flags: <defaults>
</compile_context>

<pallas_src>
import functools

import jax
import jax.numpy as jnp
from jax import lax
from jax.experimental import pallas as pl
from jax.experimental.pallas import tpu as pltpu
from jax.experimental.pallas import tpu_sc as plsc

V, D, H = 100000, 128, 128
B, L = 1024, 200
TOK = B * L
NC, NS = 2, 16
NW = NC * NS
PER_W = TOK // NW
CH = 64
NCH = PER_W // CH
NB = 10


def _make_gather():
  mesh = plsc.VectorSubcoreMesh(core_axis_name="c", subcore_axis_name="s")

  @functools.partial(
      pl.kernel,
      mesh=mesh,
      out_type=jax.ShapeDtypeStruct((TOK, D), jnp.float32),
      scratch_types=[
          pltpu.VMEM((NCH, CH), jnp.int32),
      ] + [pltpu.VMEM((CH, D), jnp.float32)] * NB
        + [pltpu.SemaphoreType.DMA] * (2 * NB),
  )
  def gather_kernel(table_hbm, idx_hbm, out_hbm, idx_v, *bufs_and_sems):
    bufs = bufs_and_sems[:NB]
    gsems = bufs_and_sems[NB:2 * NB]
    wsems = bufs_and_sems[2 * NB:]
    wid = lax.axis_index("s") * NC + lax.axis_index("c")
    base = wid * PER_W
    pltpu.sync_copy(idx_hbm.at[wid], idx_v)

    for j in range(NB):
      pltpu.async_copy(table_hbm.at[idx_v.at[j]], bufs[j], gsems[j])

    def body(i, carry):
      c0 = NB * i
      for j in range(NB):
        pltpu.make_async_copy(
            table_hbm.at[idx_v.at[c0 + j]], bufs[j], gsems[j]).wait()
        pltpu.async_copy(
            bufs[j], out_hbm.at[pl.ds(base + (c0 + j) * CH, CH)], wsems[j])
      for j in range(NB):
        pltpu.make_async_copy(
            bufs[j], out_hbm.at[pl.ds(base + (c0 + j) * CH, CH)],
            wsems[j]).wait()

        @pl.when(i < NCH // NB - 1)
        def _():
          pltpu.async_copy(
              table_hbm.at[idx_v.at[c0 + NB + j]], bufs[j], gsems[j])

      return carry

    lax.fori_loop(0, NCH // NB, body, 0)

  return gather_kernel


_gather = _make_gather()

TBLK = 10000


def _highway_body(e_ref, wp_ref, wt0_ref, bt0_ref, wg0_ref, bg0_ref,
                  wt1_ref, bt1_ref, wg1_ref, bg1_ref, out_ref):
  dn = (((1,), (1,)), ((), ()))

  def mm(a, w_ref):
    return lax.dot_general(a, w_ref[...], dn,
                           preferred_element_type=jnp.float32)

  h = mm(e_ref[...], wp_ref)
  for wt_ref, bt_ref, wg_ref, bg_ref in (
      (wt0_ref, bt0_ref, wg0_ref, bg0_ref),
      (wt1_ref, bt1_ref, wg1_ref, bg1_ref)):
    zg = mm(h, wg_ref) + bg_ref[...]
    zt = mm(h, wt_ref) + bt_ref[...]
    g = 1.0 / (1.0 + jnp.exp(-zg))
    t = jnp.maximum(zt, 0.0)
    h = g * t + (1.0 - g) * h
  out_ref[...] = h


def _make_highway():
  w_spec = pl.BlockSpec((H, H), lambda i: (0, 0))
  b_spec = pl.BlockSpec((1, H), lambda i: (0, 0))
  return pl.pallas_call(
      _highway_body,
      grid=(V // TBLK,),
      in_specs=[
          pl.BlockSpec((TBLK, D), lambda i: (i, 0)),
          w_spec, w_spec, b_spec, w_spec, b_spec,
          w_spec, b_spec, w_spec, b_spec,
      ],
      out_specs=pl.BlockSpec((TBLK, H), lambda i: (i, 0)),
      out_shape=jax.ShapeDtypeStruct((V, H), jnp.float32),
  )


_highway = _make_highway()


def kernel(x, word_vectors, W_proj, Wt0, bt0, Wg0, bg0, Wt1, bt1, Wg1, bg1):
  idx = x.reshape(NW, NCH, CH).astype(jnp.int32)
  ftable = _highway(word_vectors, W_proj,
                    Wt0, bt0.reshape(1, H), Wg0, bg0.reshape(1, H),
                    Wt1, bt1.reshape(1, H), Wg1, bg1.reshape(1, H))
  out = _gather(ftable, idx)
  return out.reshape(B, L, H)

# --- scband reference (transcript-rebuilt; emitter-appended) ---
"""Pipeline reference for scband-bi-daf-embedding-11278584119547 (READ-ONLY COPY).

The authoritative reference and input builder live on the scoring server;
editing this copy changes nothing except your own understanding.
"""

import jax, jax.numpy as jnp
import numpy as np

V, D, H = 100000, 128, 128
B, L = 1024, 200

def setup_inputs(seed: int = 0) -> dict:
    key = jax.random.key(seed)
    ks = jax.random.split(key, 12)
    x = jax.random.randint(ks[0], (B, L), 0, V)
    word_vectors = jax.random.normal(ks[1], (V, D), dtype=jnp.float32)
    W_proj = jax.random.normal(ks[2], (H, D), dtype=jnp.float32) * 0.05
    Wt0 = jax.random.normal(ks[3], (H, H), dtype=jnp.float32) * 0.05
    bt0 = jnp.zeros((H,), dtype=jnp.float32)
    Wg0 = jax.random.normal(ks[4], (H, H), dtype=jnp.float32) * 0.05
    bg0 = jnp.zeros((H,), dtype=jnp.float32)
    Wt1 = jax.random.normal(ks[5], (H, H), dtype=jnp.float32) * 0.05
    bt1 = jnp.zeros((H,), dtype=jnp.float32)
    Wg1 = jax.random.normal(ks[6], (H, H), dtype=jnp.float32) * 0.05
    bg1 = jnp.zeros((H,), dtype=jnp.float32)
    return {"x": x, "word_vectors": word_vectors, "W_proj": W_proj,
            "Wt0": Wt0, "bt0": bt0, "Wg0": Wg0, "bg0": bg0,
            "Wt1": Wt1, "bt1": bt1, "Wg1": Wg1, "bg1": bg1}

def reference(x, word_vectors, W_proj, Wt0, bt0, Wg0, bg0, Wt1, bt1, Wg1, bg1):
    # Embedding lookup (dropout is identity at inference: p_drop only active in training)
    emb = jnp.take(word_vectors, x, axis=0)  # [B, L, D]
    # Linear projection without bias: nn.Linear(D, H, bias=False)
    emb = emb @ W_proj.T  # [B, L, H]
    # 2-layer Highway Encoder: x = g * relu(W_t x + b_t) + (1 - g) * x, g = sigmoid(W_g x + b_g)
    for Wt, bt, Wg, bg in ((Wt0, bt0, Wg0, bg0), (Wt1, bt1, Wg1, bg1)):
        g = jax.nn.sigmoid(emb @ Wg.T + bg)
        t = jax.nn.relu(emb @ Wt.T + bt)
        emb = g * t + (1.0 - g) * emb
    return emb

if __name__ == "__main__":
    import jax
    _d = setup_inputs()
    print(jax.jit(kernel)(*tuple(_d.values())))

</pallas_src>

<mosaic_0001>
#map = affine_map<(d0, d1) -> (0, 0)>
#map1 = affine_map<(d0, d1) -> (0, 0, 0)>
module attributes {stable_mosaic.version = 14 : i64} {
  func.func @gather_kernel(%arg0: i32, %arg1: i32, %arg2: memref<100000x128xf32, #tpu.memory_space<hbm>>, %arg3: memref<32x100x64xi32, #tpu.memory_space<hbm>>, %arg4: memref<204800x128xf32, #tpu.memory_space<hbm>>, %arg5: memref<100x64xi32, #tpu.memory_space<vmem>>, %arg6: memref<64x128xf32, #tpu.memory_space<vmem>>, %arg7: memref<64x128xf32, #tpu.memory_space<vmem>>, %arg8: memref<64x128xf32, #tpu.memory_space<vmem>>, %arg9: memref<64x128xf32, #tpu.memory_space<vmem>>, %arg10: memref<64x128xf32, #tpu.memory_space<vmem>>, %arg11: memref<64x128xf32, #tpu.memory_space<vmem>>, %arg12: memref<64x128xf32, #tpu.memory_space<vmem>>, %arg13: memref<64x128xf32, #tpu.memory_space<vmem>>, %arg14: memref<64x128xf32, #tpu.memory_space<vmem>>, %arg15: memref<64x128xf32, #tpu.memory_space<vmem>>, %arg16: memref<!tpu.dma_semaphore, #tpu.memory_space<semaphore_mem>>, %arg17: memref<!tpu.dma_semaphore, #tpu.memory_space<semaphore_mem>>, %arg18: memref<!tpu.dma_semaphore, #tpu.memory_space<semaphore_mem>>, %arg19: memref<!tpu.dma_semaphore, #tpu.memory_space<semaphore_mem>>, %arg20: memref<!tpu.dma_semaphore, #tpu.memory_space<semaphore_mem>>, %arg21: memref<!tpu.dma_semaphore, #tpu.memory_space<semaphore_mem>>, %arg22: memref<!tpu.dma_semaphore, #tpu.memory_space<semaphore_mem>>, %arg23: memref<!tpu.dma_semaphore, #tpu.memory_space<semaphore_mem>>, %arg24: memref<!tpu.dma_semaphore, #tpu.memory_space<semaphore_mem>>, %arg25: memref<!tpu.dma_semaphore, #tpu.memory_space<semaphore_mem>>, %arg26: memref<!tpu.dma_semaphore, #tpu.memory_space<semaphore_mem>>, %arg27: memref<!tpu.dma_semaphore, #tpu.memory_space<semaphore_mem>>, %arg28: memref<!tpu.dma_semaphore, #tpu.memory_space<semaphore_mem>>, %arg29: memref<!tpu.dma_semaphore, #tpu.memory_space<semaphore_mem>>, %arg30: memref<!tpu.dma_semaphore, #tpu.memory_space<semaphore_mem>>, %arg31: memref<!tpu.dma_semaphore, #tpu.memory_space<semaphore_mem>>, %arg32: memref<!tpu.dma_semaphore, #tpu.memory_space<semaphore_mem>>, %arg33: memref<!tpu.dma_semaphore, #tpu.memory_space<semaphore_mem>>, %arg34: memref<!tpu.dma_semaphore, #tpu.memory_space<semaphore_mem>>, %arg35: memref<!tpu.dma_semaphore, #tpu.memory_space<semaphore_mem>>) attributes {dimension_semantics = [#tpu.dimension_semantics<core_parallel>, #tpu.dimension_semantics<subcore_parallel>], iteration_bounds = array<i64: 2, 16>, scalar_prefetch = 0 : i64, scratch_operands = 31 : i64, tpu.core_type = #tpu.core_type<sc_vector_subcore>, window_params = [{transform_indices = #map}, {transform_indices = #map1}, {transform_indices = #map}]} {
    %mul3A = arith.constant 2 : i32
    %mul3A_0 = arith.muli %arg1, %mul3A : i32
    %add3A = arith.addi %mul3A_0, %arg0 : i32
    %mul3A_1 = arith.constant 6400 : i32
    %mul3A_2 = arith.muli %add3A, %mul3A_1 : i32
    "tpu.region"() ({
      %run_scoped3A = tpu.sem_alloc : memref<!tpu.dma_semaphore, #tpu.memory_space<semaphore_mem>>
      %dma_start3A_77 = arith.constant 0 : i32
      %dma_start3A_78 = arith.constant 0 : i32
      %dma_start3A_79 = tpu.memref_slice %arg3[%add3A, %dma_start3A_77, %dma_start3A_78] : memref<32x100x64xi32, #tpu.memory_space<hbm>> -> memref<1x100x64xi32, #tpu.memory_space<hbm>>
      %dma_start3A_80 = tpu.memref_squeeze %dma_start3A_79 : memref<1x100x64xi32, #tpu.memory_space<hbm>> -> memref<100x64xi32, #tpu.memory_space<hbm>>
      %dma_start3A_81 = arith.constant 0 : i32
      %dma_start3A_82 = arith.constant 0 : i32
      %dma_start3A_83 = tpu.memref_slice %arg3[%add3A, %dma_start3A_81, %dma_start3A_82] : memref<32x100x64xi32, #tpu.memory_space<hbm>> -> memref<1x100x64xi32, #tpu.memory_space<hbm>>
      %dma_start3A_84 = tpu.memref_squeeze %dma_start3A_83 : memref<1x100x64xi32, #tpu.memory_space<hbm>> -> memref<100x64xi32, #tpu.memory_space<hbm>>
      tpu.enqueue_dma source(%dma_start3A_84 : memref<100x64xi32, #tpu.memory_space<hbm>>) target(%arg5 : memref<100x64xi32, #tpu.memory_space<vmem>>) target_semaphore(%run_scoped3A : memref<!tpu.dma_semaphore, #tpu.memory_space<semaphore_mem>>)
      %dma_wait3A = arith.constant 0 : i32
      %dma_wait3A_85 = arith.constant 0 : i32
      %dma_wait3A_86 = tpu.memref_slice %arg3[%add3A, %dma_wait3A, %dma_wait3A_85] : memref<32x100x64xi32, #tpu.memory_space<hbm>> -> memref<1x100x64xi32, #tpu.memory_space<hbm>>
      %dma_wait3A_87 = tpu.memref_squeeze %dma_wait3A_86 : memref<1x100x64xi32, #tpu.memory_space<hbm>> -> memref<100x64xi32, #tpu.memory_space<hbm>>
      %dma_wait3A_88 = arith.constant 0 : i32
      %dma_wait3A_89 = arith.constant 0 : i32
      %dma_wait3A_90 = tpu.memref_slice %arg3[%add3A, %dma_wait3A_88, %dma_wait3A_89] : memref<32x100x64xi32, #tpu.memory_space<hbm>> -> memref<1x100x64xi32, #tpu.memory_space<hbm>>
      %dma_wait3A_91 = tpu.memref_squeeze %dma_wait3A_90 : memref<1x100x64xi32, #tpu.memory_space<hbm>> -> memref<100x64xi32, #tpu.memory_space<hbm>>
      tpu.wait_dma2 semaphore(%run_scoped3A : memref<!tpu.dma_semaphore, #tpu.memory_space<semaphore_mem>>) src(%dma_wait3A_91 : memref<100x64xi32, #tpu.memory_space<hbm>>) dst(%arg5 : memref<100x64xi32, #tpu.memory_space<vmem>>)
      tpu.yield
    }) : () -> ()
    %dma_start3A = arith.constant 0 : i32
    %dma_start3A_3 = arith.constant 0 : i32
    %dma_start3A_4 = tpu.memref_slice %arg5[%dma_start3A, %dma_start3A_3] : memref<100x64xi32, #tpu.memory_space<vmem>> -> memref<1x64xi32, #tpu.memory_space<vmem>>
    %dma_start3A_5 = tpu.memref_squeeze %dma_start3A_4 : memref<1x64xi32, #tpu.memory_space<vmem>> -> memref<64xi32, #tpu.memory_space<vmem>>
    %dma_start3A_6 = arith.constant 0 : i32
    %dma_start3A_7 = arith.constant 0 : i32
    %dma_start3A_8 = tpu.memref_slice %arg2[%dma_start3A_6, %dma_start3A_7] : memref<100000x128xf32, #tpu.memory_space<hbm>> -> memref<100000x128xf32, #tpu.memory_space<hbm>>
    tpu.enqueue_indirect_dma source(%dma_start3A_8 : memref<100000x128xf32, #tpu.memory_space<hbm>>) target(%arg6 : memref<64x128xf32, #tpu.memory_space<vmem>>) offsets(%dma_start3A_5 : memref<64xi32, #tpu.memory_space<vmem>>) semaphore(%arg16 : memref<!tpu.dma_semaphore, #tpu.memory_space<semaphore_mem>>)
    %dma_start3A_9 = arith.constant 1 : i32
    %dma_start3A_10 = arith.constant 0 : i32
    %dma_start3A_11 = tpu.memref_slice %arg5[%dma_start3A_9, %dma_start3A_10] : memref<100x64xi32, #tpu.memory_space<vmem>> -> memref<1x64xi32, #tpu.memory_space<vmem>>
    %dma_start3A_12 = tpu.memref_squeeze %dma_start3A_11 : memref<1x64xi32, #tpu.memory_space<vmem>> -> memref<64xi32, #tpu.memory_space<vmem>>
    %dma_start3A_13 = arith.constant 0 : i32
    %dma_start3A_14 = arith.constant 0 : i32
    %dma_start3A_15 = tpu.memref_slice %arg2[%dma_start3A_13, %dma_start3A_14] : memref<100000x128xf32, #tpu.memory_space<hbm>> -> memref<100000x128xf32, #tpu.memory_space<hbm>>
    tpu.enqueue_indirect_dma source(%dma_start3A_15 : memref<100000x128xf32, #tpu.memory_space<hbm>>) target(%arg7 : memref<64x128xf32, #tpu.memory_space<vmem>>) offsets(%dma_start3A_12 : memref<64xi32, #tpu.memory_space<vmem>>) semaphore(%arg17 : memref<!tpu.dma_semaphore, #tpu.memory_space<semaphore_mem>>)
    %dma_start3A_16 = arith.constant 2 : i32
    %dma_start3A_17 = arith.constant 0 : i32
    %dma_start3A_18 = tpu.memref_slice %arg5[%dma_start3A_16, %dma_start3A_17] : memref<100x64xi32, #tpu.memory_space<vmem>> -> memref<1x64xi32, #tpu.memory_space<vmem>>
    %dma_start3A_19 = tpu.memref_squeeze %dma_start3A_18 : memref<1x64xi32, #tpu.memory_space<vmem>> -> memref<64xi32, #tpu.memory_space<vmem>>
    %dma_start3A_20 = arith.constant 0 : i32
    %dma_start3A_21 = arith.constant 0 : i32
    %dma_start3A_22 = tpu.memref_slice %arg2[%dma_start3A_20, %dma_start3A_21] : memref<100000x128xf32, #tpu.memory_space<hbm>> -> memref<100000x128xf32, #tpu.memory_space<hbm>>
    tpu.enqueue_indirect_dma source(%dma_start3A_22 : memref<100000x128xf32, #tpu.memory_space<hbm>>) target(%arg8 : memref<64x128xf32, #tpu.memory_space<vmem>>) offsets(%dma_start3A_19 : memref<64xi32, #tpu.memory_space<vmem>>) semaphore(%arg18 : memref<!tpu.dma_semaphore, #tpu.memory_space<semaphore_mem>>)
    %dma_start3A_23 = arith.constant 3 : i32
    %dma_start3A_24 = arith.constant 0 : i32
    %dma_start3A_25 = tpu.memref_slice %arg5[%dma_start3A_23, %dma_start3A_24] : memref<100x64xi32, #tpu.memory_space<vmem>> -> memref<1x64xi32, #tpu.memory_space<vmem>>
    %dma_start3A_26 = tpu.memref_squeeze %dma_start3A_25 : memref<1x64xi32, #tpu.memory_space<vmem>> -> memref<64xi32, #tpu.memory_space<vmem>>
    %dma_start3A_27 = arith.constant 0 : i32
    %dma_start3A_28 = arith.constant 0 : i32
    %dma_start3A_29 = tpu.memref_slice %arg2[%dma_start3A_27, %dma_start3A_28] : memref<100000x128xf32, #tpu.memory_space<hbm>> -> memref<100000x128xf32, #tpu.memory_space<hbm>>
    tpu.enqueue_indirect_dma source(%dma_start3A_29 : memref<100000x128xf32, #tpu.memory_space<hbm>>) target(%arg9 : memref<64x128xf32, #tpu.memory_space<vmem>>) offsets(%dma_start3A_26 : memref<64xi32, #tpu.memory_space<vmem>>) semaphore(%arg19 : memref<!tpu.dma_semaphore, #tpu.memory_space<semaphore_mem>>)
    %dma_start3A_30 = arith.constant 4 : i32
    %dma_start3A_31 = arith.constant 0 : i32
    %dma_start3A_32 = tpu.memref_slice %arg5[%dma_start3A_30, %dma_start3A_31] : memref<100x64xi32, #tpu.memory_space<vmem>> -> memref<1x64xi32, #tpu.memory_space<vmem>>
    %dma_start3A_33 = tpu.memref_squeeze %dma_start3A_32 : memref<1x64xi32, #tpu.memory_space<vmem>> -> memref<64xi32, #tpu.memory_space<vmem>>
    %dma_start3A_34 = arith.constant 0 : i32
    %dma_start3A_35 = arith.constant 0 : i32
    %dma_start3A_36 = tpu.memref_slice %arg2[%dma_start3A_34, %dma_start3A_35] : memref<100000x128xf32, #tpu.memory_space<hbm>> -> memref<100000x128xf32, #tpu.memory_space<hbm>>
    tpu.enqueue_indirect_dma source(%dma_start3A_36 : memref<100000x128xf32, #tpu.memory_space<hbm>>) target(%arg10 : memref<64x128xf32, #tpu.memory_space<vmem>>) offsets(%dma_start3A_33 : memref<64xi32, #tpu.memory_space<vmem>>) semaphore(%arg20 : memref<!tpu.dma_semaphore, #tpu.memory_space<semaphore_mem>>)
    %dma_start3A_37 = arith.constant 5 : i32
    %dma_start3A_38 = arith.constant 0 : i32
    %dma_start3A_39 = tpu.memref_slice %arg5[%dma_start3A_37, %dma_start3A_38] : memref<100x64xi32, #tpu.memory_space<vmem>> -> memref<1x64xi32, #tpu.memory_space<vmem>>
    %dma_start3A_40 = tpu.memref_squeeze %dma_start3A_39 : memref<1x64xi32, #tpu.memory_space<vmem>> -> memref<64xi32, #tpu.memory_space<vmem>>
    %dma_start3A_41 = arith.constant 0 : i32
    %dma_start3A_42 = arith.constant 0 : i32
    %dma_start3A_43 = tpu.memref_slice %arg2[%dma_start3A_41, %dma_start3A_42] : memref<100000x128xf32, #tpu.memory_space<hbm>> -> memref<100000x128xf32, #tpu.memory_space<hbm>>
    tpu.enqueue_indirect_dma source(%dma_start3A_43 : memref<100000x128xf32, #tpu.memory_space<hbm>>) target(%arg11 : memref<64x128xf32, #tpu.memory_space<vmem>>) offsets(%dma_start3A_40 : memref<64xi32, #tpu.memory_space<vmem>>) semaphore(%arg21 : memref<!tpu.dma_semaphore, #tpu.memory_space<semaphore_mem>>)
    %dma_start3A_44 = arith.constant 6 : i32
    %dma_start3A_45 = arith.constant 0 : i32
    %dma_start3A_46 = tpu.memref_slice %arg5[%dma_start3A_44, %dma_start3A_45] : memref<100x64xi32, #tpu.memory_space<vmem>> -> memref<1x64xi32, #tpu.memory_space<vmem>>
    %dma_start3A_47 = tpu.memref_squeeze %dma_start3A_46 : memref<1x64xi32, #tpu.memory_space<vmem>> -> memref<64xi32, #tpu.memory_space<vmem>>
    %dma_start3A_48 = arith.constant 0 : i32
    %dma_start3A_49 = arith.constant 0 : i32
    %dma_start3A_50 = tpu.memref_slice %arg2[%dma_start3A_48, %dma_start3A_49] : memref<100000x128xf32, #tpu.memory_space<hbm>> -> memref<100000x128xf32, #tpu.memory_space<hbm>>
    tpu.enqueue_indirect_dma source(%dma_start3A_50 : memref<100000x128xf32, #tpu.memory_space<hbm>>) target(%arg12 : memref<64x128xf32, #tpu.memory_space<vmem>>) offsets(%dma_start3A_47 : memref<64xi32, #tpu.memory_space<vmem>>) semaphore(%arg22 : memref<!tpu.dma_semaphore, #tpu.memory_space<semaphore_mem>>)
    %dma_start3A_51 = arith.constant 7 : i32
    %dma_start3A_52 = arith.constant 0 : i32
    %dma_start3A_53 = tpu.memref_slice %arg5[%dma_start3A_51, %dma_start3A_52] : memref<100x64xi32, #tpu.memory_space<vmem>> -> memref<1x64xi32, #tpu.memory_space<vmem>>
    %dma_start3A_54 = tpu.memref_squeeze %dma_start3A_53 : memref<1x64xi32, #tpu.memory_space<vmem>> -> memref<64xi32, #tpu.memory_space<vmem>>
    %dma_start3A_55 = arith.constant 0 : i32
    %dma_start3A_56 = arith.constant 0 : i32
    %dma_start3A_57 = tpu.memref_slice %arg2[%dma_start3A_55, %dma_start3A_56] : memref<100000x128xf32, #tpu.memory_space<hbm>> -> memref<100000x128xf32, #tpu.memory_space<hbm>>
    tpu.enqueue_indirect_dma source(%dma_start3A_57 : memref<100000x128xf32, #tpu.memory_space<hbm>>) target(%arg13 : memref<64x128xf32, #tpu.memory_space<vmem>>) offsets(%dma_start3A_54 : memref<64xi32, #tpu.memory_space<vmem>>) semaphore(%arg23 : memref<!tpu.dma_semaphore, #tpu.memory_space<semaphore_mem>>)
    %dma_start3A_58 = arith.constant 8 : i32
    %dma_start3A_59 = arith.constant 0 : i32
    %dma_start3A_60 = tpu.memref_slice %arg5[%dma_start3A_58, %dma_start3A_59] : memref<100x64xi32, #tpu.memory_space<vmem>> -> memref<1x64xi32, #tpu.memory_space<vmem>>
    %dma_start3A_61 = tpu.memref_squeeze %dma_start3A_60 : memref<1x64xi32, #tpu.memory_space<vmem>> -> memref<64xi32, #tpu.memory_space<vmem>>
    %dma_start3A_62 = arith.constant 0 : i32
    %dma_start3A_63 = arith.constant 0 : i32
    %dma_start3A_64 = tpu.memref_slice %arg2[%dma_start3A_62, %dma_start3A_63] : memref<100000x128xf32, #tpu.memory_space<hbm>> -> memref<100000x128xf32, #tpu.memory_space<hbm>>
    tpu.enqueue_indirect_dma source(%dma_start3A_64 : memref<100000x128xf32, #tpu.memory_space<hbm>>) target(%arg14 : memref<64x128xf32, #tpu.memory_space<vmem>>) offsets(%dma_start3A_61 : memref<64xi32, #tpu.memory_space<vmem>>) semaphore(%arg24 : memref<!tpu.dma_semaphore, #tpu.memory_space<semaphore_mem>>)
    %dma_start3A_65 = arith.constant 9 : i32
    %dma_start3A_66 = arith.constant 0 : i32
    %dma_start3A_67 = tpu.memref_slice %arg5[%dma_start3A_65, %dma_start3A_66] : memref<100x64xi32, #tpu.memory_space<vmem>> -> memref<1x64xi32, #tpu.memory_space<vmem>>
    %dma_start3A_68 = tpu.memref_squeeze %dma_start3A_67 : memref<1x64xi32, #tpu.memory_space<vmem>> -> memref<64xi32, #tpu.memory_space<vmem>>
    %dma_start3A_69 = arith.constant 0 : i32
    %dma_start3A_70 = arith.constant 0 : i32
    %dma_start3A_71 = tpu.memref_slice %arg2[%dma_start3A_69, %dma_start3A_70] : memref<100000x128xf32, #tpu.memory_space<hbm>> -> memref<100000x128xf32, #tpu.memory_space<hbm>>
    tpu.enqueue_indirect_dma source(%dma_start3A_71 : memref<100000x128xf32, #tpu.memory_space<hbm>>) target(%arg15 : memref<64x128xf32, #tpu.memory_space<vmem>>) offsets(%dma_start3A_68 : memref<64xi32, #tpu.memory_space<vmem>>) semaphore(%arg25 : memref<!tpu.dma_semaphore, #tpu.memory_space<semaphore_mem>>)
    %scan3A = arith.constant 0 : i32
    %scan3A_72 = arith.constant 0 : i32
    %scan3A_73 = arith.constant 10 : i32
    %scan3A_74 = arith.addi %scan3A_72, %scan3A_73 : i32
    %scan3A_75 = arith.constant 1 : i32
    scf.for %scan3A_77 = %scan3A_72 to %scan3A_74 step %scan3A_75  : i32 {
      %mul3A_78 = arith.constant 10 : i32
      %mul3A_79 = arith.muli %mul3A_78, %scan3A_77 : i32
      %add3A_80 = arith.constant 0 : i32
      %add3A_81 = arith.addi %mul3A_79, %add3A_80 : i32
      %dma_wait3A = arith.constant 0 : i32
      %dma_wait3A_82 = tpu.memref_slice %arg5[%add3A_81, %dma_wait3A] : memref<100x64xi32, #tpu.memory_space<vmem>> -> memref<1x64xi32, #tpu.memory_space<vmem>>
      %dma_wait3A_83 = tpu.memref_squeeze %dma_wait3A_82 : memref<1x64xi32, #tpu.memory_space<vmem>> -> memref<64xi32, #tpu.memory_space<vmem>>
      %dma_wait3A_84 = arith.constant 0 : i32
      %dma_wait3A_85 = arith.constant 0 : i32
      %dma_wait3A_86 = tpu.memref_slice %arg2[%dma_wait3A_84, %dma_wait3A_85] : memref<100000x128xf32, #tpu.memory_space<hbm>> -> memref<100000x128xf32, #tpu.memory_space<hbm>>
      tpu.wait_indirect_dma semaphore(%arg16 : memref<!tpu.dma_semaphore, #tpu.memory_space<semaphore_mem>>) src(%dma_wait3A_86 : memref<100000x128xf32, #tpu.memory_space<hbm>>) dst(%arg6 : memref<64x128xf32, #tpu.memory_space<vmem>>)
      %add3A_87 = arith.constant 0 : i32
      %add3A_88 = arith.addi %mul3A_79, %add3A_87 : i32
      %mul3A_89 = arith.constant 64 : i32
      %mul3A_90 = arith.muli %add3A_88, %mul3A_89 : i32
      %add3A_91 = arith.addi %mul3A_2, %mul3A_90 : i32
      %dma_start3A_92 = arith.constant 0 : i32
      %dma_start3A_93 = tpu.memref_slice %arg4[%add3A_91, %dma_start3A_92] : memref<204800x128xf32, #tpu.memory_space<hbm>> -> memref<64x128xf32, #tpu.memory_space<hbm>>
      %dma_start3A_94 = arith.constant 0 : i32
      %dma_start3A_95 = tpu.memref_slice %arg4[%add3A_91, %dma_start3A_94] : memref<204800x128xf32, #tpu.memory_space<hbm>> -> memref<64x128xf32, #tpu.memory_space<hbm>>
      tpu.enqueue_dma source(%arg6 : memref<64x128xf32, #tpu.memory_space<vmem>>) target(%dma_start3A_95 : memref<64x128xf32, #tpu.memory_space<hbm>>) target_semaphore(%arg26 : memref<!tpu.dma_semaphore, #tpu.memory_space<semaphore_mem>>)
      %add3A_96 = arith.constant 1 : i32
      %add3A_97 = arith.addi %mul3A_79, %add3A_96 : i32
      %dma_wait3A_98 = arith.constant 0 : i32
      %dma_wait3A_99 = tpu.memref_slice %arg5[%add3A_97, %dma_wait3A_98] : memref<100x64xi32, #tpu.memory_space<vmem>> -> memref<1x64xi32, #tpu.memory_space<vmem>>
      %dma_wait3A_100 = tpu.memref_squeeze %dma_wait3A_99 : memref<1x64xi32, #tpu.memory_space<vmem>> -> memref<64xi32, #tpu.memory_space<vmem>>
      %dma_wait3A_101 = arith.constant 0 : i32
      %dma_wait3A_102 = arith.constant 0 : i32
      %dma_wait3A_103 = tpu.memref_slice %arg2[%dma_wait3A_101, %dma_wait3A_102] : memref<100000x128xf32, #tpu.memory_space<hbm>> -> memref<100000x128xf32, #tpu.memory_space<hbm>>
      tpu.wait_indirect_dma semaphore(%arg17 : memref<!tpu.dma_semaphore, #tpu.memory_space<semaphore_mem>>) src(%dma_wait3A_103 : memref<100000x128xf32, #tpu.memory_space<hbm>>) dst(%arg7 : memref<64x128xf32, #tpu.memory_space<vmem>>)
      %add3A_104 = arith.constant 1 : i32
      %add3A_105 = arith.addi %mul3A_79, %add3A_104 : i32
      %mul3A_106 = arith.constant 64 : i32
      %mul3A_107 = arith.muli %add3A_105, %mul3A_106 : i32
      %add3A_108 = arith.addi %mul3A_2, %mul3A_107 : i32
      %dma_start3A_109 = arith.constant 0 : i32
      %dma_start3A_110 = tpu.memref_slice %arg4[%add3A_108, %dma_start3A_109] : memref<204800x128xf32, #tpu.memory_space<hbm>> -> memref<64x128xf32, #tpu.memory_space<hbm>>
      %dma_start3A_111 = arith.constant 0 : i32
      %dma_start3A_112 = tpu.memref_slice %arg4[%add3A_108, %dma_start3A_111] : memref<204800x128xf32, #tpu.memory_space<hbm>> -> memref<64x128xf32, #tpu.memory_space<hbm>>
      tpu.enqueue_dma source(%arg7 : memref<64x128xf32, #tpu.memory_space<vmem>>) target(%dma_start3A_112 : memref<64x128xf32, #tpu.memory_space<hbm>>) target_semaphore(%arg27 : memref<!tpu.dma_semaphore, #tpu.memory_space<semaphore_mem>>)
      %add3A_113 = arith.constant 2 : i32
      %add3A_114 = arith.addi %mul3A_79, %add3A_113 : i32
      %dma_wait3A_115 = arith.constant 0 : i32
      %dma_wait3A_116 = tpu.memref_slice %arg5[%add3A_114, %dma_wait3A_115] : memref<100x64xi32, #tpu.memory_space<vmem>> -> memref<1x64xi32, #tpu.memory_space<vmem>>
      %dma_wait3A_117 = tpu.memref_squeeze %dma_wait3A_116 : memref<1x64xi32, #tpu.memory_space<vmem>> -> memref<64xi32, #tpu.memory_space<vmem>>
      %dma_wait3A_118 = arith.constant 0 : i32
      %dma_wait3A_119 = arith.constant 0 : i32
      %dma_wait3A_120 = tpu.memref_slice %arg2[%dma_wait3A_118, %dma_wait3A_119] : memref<100000x128xf32, #tpu.memory_space<hbm>> -> memref<100000x128xf32, #tpu.memory_space<hbm>>
      tpu.wait_indirect_dma semaphore(%arg18 : memref<!tpu.dma_semaphore, #tpu.memory_space<semaphore_mem>>) src(%dma_wait3A_120 : memref<100000x128xf32, #tpu.memory_space<hbm>>) dst(%arg8 : memref<64x128xf32, #tpu.memory_space<vmem>>)
      %add3A_121 = arith.constant 2 : i32
      %add3A_122 = arith.addi %mul3A_79, %add3A_121 : i32
      %mul3A_123 = arith.constant 64 : i32
      %mul3A_124 = arith.muli %add3A_122, %mul3A_123 : i32
      %add3A_125 = arith.addi %mul3A_2, %mul3A_124 : i32
      %dma_start3A_126 = arith.constant 0 : i32
      %dma_start3A_127 = tpu.memref_slice %arg4[%add3A_125, %dma_start3A_126] : memref<204800x128xf32, #tpu.memory_space<hbm>> -> memref<64x128xf32, #tpu.memory_space<hbm>>
      %dma_start3A_128 = arith.constant 0 : i32
      %dma_start3A_129 = tpu.memref_slice %arg4[%add3A_125, %dma_start3A_128] : memref<204800x128xf32, #tpu.memory_space<hbm>> -> memref<64x128xf32, #tpu.memory_space<hbm>>
      tpu.enqueue_dma source(%arg8 : memref<64x128xf32, #tpu.memory_space<vmem>>) target(%dma_start3A_129 : memref<64x128xf32, #tpu.memory_space<hbm>>) target_semaphore(%arg28 : memref<!tpu.dma_semaphore, #tpu.memory_space<semaphore_mem>>)
      %add3A_130 = arith.constant 3 : i32
      %add3A_131 = arith.addi %mul3A_79, %add3A_130 : i32
      %dma_wait3A_132 = arith.constant 0 : i32
      %dma_wait3A_133 = tpu.memref_slice %arg5[%add3A_131, %dma_wait3A_132] : memref<100x64xi32, #tpu.memory_space<vmem>> -> memref<1x64xi32, #tpu.memory_space<vmem>>
      %dma_wait3A_134 = tpu.memref_squeeze %dma_wait3A_133 : memref<1x64xi32, #tpu.memory_space<vmem>> -> memref<64xi32, #tpu.memory_space<vmem>>
      %dma_wait3A_135 = arith.constant 0 : i32
      %dma_wait3A_136 = arith.constant 0 : i32
      %dma_wait3A_137 = tpu.memref_slice %arg2[%dma_wait3A_135, %dma_wait3A_136] : memref<100000x128xf32, #tpu.memory_space<hbm>> -> memref<100000x128xf32, #tpu.memory_space<hbm>>
      tpu.wait_indirect_dma semaphore(%arg19 : memref<!tpu.dma_semaphore, #tpu.memory_space<semaphore_mem>>) src(%dma_wait3A_137 : memref<100000x128xf32, #tpu.memory_space<hbm>>) dst(%arg9 : memref<64x128xf32, #tpu.memory_space<vmem>>)
      %add3A_138 = arith.constant 3 : i32
      %add3A_139 = arith.addi %mul3A_79, %add3A_138 : i32
      %mul3A_140 = arith.constant 64 : i32
      %mul3A_141 = arith.muli %add3A_139, %mul3A_140 : i32
      %add3A_142 = arith.addi %mul3A_2, %mul3A_141 : i32
      %dma_start3A_143 = arith.constant 0 : i32
      %dma_start3A_144 = tpu.memref_slice %arg4[%add3A_142, %dma_start3A_143] : memref<204800x128xf32, #tpu.memory_space<hbm>> -> memref<64x128xf32, #tpu.memory_space<hbm>>
      %dma_start3A_145 = arith.constant 0 : i32
      %dma_start3A_146 = tpu.memref_slice %arg4[%add3A_142, %dma_start3A_145] : memref<204800x128xf32, #tpu.memory_space<hbm>> -> memref<64x128xf32, #tpu.memory_space<hbm>>
      tpu.enqueue_dma source(%arg9 : memref<64x128xf32, #tpu.memory_space<vmem>>) target(%dma_start3A_146 : memref<64x128xf32, #tpu.memory_space<hbm>>) target_semaphore(%arg29 : memref<!tpu.dma_semaphore, #tpu.memory_space<semaphore_mem>>)
      %add3A_147 = arith.constant 4 : i32
      %add3A_148 = arith.addi %mul3A_79, %add3A_147 : i32
      %dma_wait3A_149 = arith.constant 0 : i32
      %dma_wait3A_150 = tpu.memref_slice %arg5[%add3A_148, %dma_wait3A_149] : memref<100x64xi32, #tpu.memory_space<vmem>> -> memref<1x64xi32, #tpu.memory_space<vmem>>
      %dma_wait3A_151 = tpu.memref_squeeze %dma_wait3A_150 : memref<1x64xi32, #tpu.memory_space<vmem>> -> memref<64xi32, #tpu.memory_space<vmem>>
      %dma_wait3A_152 = arith.constant 0 : i32
      %dma_wait3A_153 = arith.constant 0 : i32
      %dma_wait3A_154 = tpu.memref_slice %arg2[%dma_wait3A_152, %dma_wait3A_153] : memref<100000x128xf32, #tpu.memory_space<hbm>> -> memref<100000x128xf32, #tpu.memory_space<hbm>>
      tpu.wait_indirect_dma semaphore(%arg20 : memref<!tpu.dma_semaphore, #tpu.memory_space<semaphore_mem>>) src(%dma_wait3A_154 : memref<100000x128xf32, #tpu.memory_space<hbm>>) dst(%arg10 : memref<64x128xf32, #tpu.memory_space<vmem>>)
      %add3A_155 = arith.constant 4 : i32
      %add3A_156 = arith.addi %mul3A_79, %add3A_155 : i32
      %mul3A_157 = arith.constant 64 : i32
      %mul3A_158 = arith.muli %add3A_156, %mul3A_157 : i32
      %add3A_159 = arith.addi %mul3A_2, %mul3A_158 : i32
      %dma_start3A_160 = arith.constant 0 : i32
      %dma_start3A_161 = tpu.memref_slice %arg4[%add3A_159, %dma_start3A_160] : memref<204800x128xf32, #tpu.memory_space<hbm>> -> memref<64x128xf32, #tpu.memory_space<hbm>>
      %dma_start3A_162 = arith.constant 0 : i32
      %dma_start3A_163 = tpu.memref_slice %arg4[%add3A_159, %dma_start3A_162] : memref<204800x128xf32, #tpu.memory_space<hbm>> -> memref<64x128xf32, #tpu.memory_space<hbm>>
      tpu.enqueue_dma source(%arg10 : memref<64x128xf32, #tpu.memory_space<vmem>>) target(%dma_start3A_163 : memref<64x128xf32, #tpu.memory_space<hbm>>) target_semaphore(%arg30 : memref<!tpu.dma_semaphore, #tpu.memory_space<semaphore_mem>>)
      %add3A_164 = arith.constant 5 : i32
      %add3A_165 = arith.addi %mul3A_79, %add3A_164 : i32
      %dma_wait3A_166 = arith.constant 0 : i32
      %dma_wait3A_167 = tpu.memref_slice %arg5[%add3A_165, %dma_wait3A_166] : memref<100x64xi32, #tpu.memory_space<vmem>> -> memref<1x64xi32, #tpu.memory_space<vmem>>
      %dma_wait3A_168 = tpu.memref_squeeze %dma_wait3A_167 : memref<1x64xi32, #tpu.memory_space<vmem>> -> memref<64xi32, #tpu.memory_space<vmem>>
      %dma_wait3A_169 = arith.constant 0 : i32
      %dma_wait3A_170 = arith.constant 0 : i32
      %dma_wait3A_171 = tpu.memref_slice %arg2[%dma_wait3A_169, %dma_wait3A_170] : memref<100000x128xf32, #tpu.memory_space<hbm>> -> memref<100000x128xf32, #tpu.memory_space<hbm>>
      tpu.wait_indirect_dma semaphore(%arg21 : memref<!tpu.dma_semaphore, #tpu.memory_space<semaphore_mem>>) src(%dma_wait3A_171 : memref<100000x128xf32, #tpu.memory_space<hbm>>) dst(%arg11 : memref<64x128xf32, #tpu.memory_space<vmem>>)
      %add3A_172 = arith.constant 5 : i32
      %add3A_173 = arith.addi %mul3A_79, %add3A_172 : i32
      %mul3A_174 = arith.constant 64 : i32
      %mul3A_175 = arith.muli %add3A_173, %mul3A_174 : i32
      %add3A_176 = arith.addi %mul3A_2, %mul3A_175 : i32
      %dma_start3A_177 = arith.constant 0 : i32
      %dma_start3A_178 = tpu.memref_slice %arg4[%add3A_176, %dma_start3A_177] : memref<204800x128xf32, #tpu.memory_space<hbm>> -> memref<64x128xf32, #tpu.memory_space<hbm>>
      %dma_start3A_179 = arith.constant 0 : i32
      %dma_start3A_180 = tpu.memref_slice %arg4[%add3A_176, %dma_start3A_179] : memref<204800x128xf32, #tpu.memory_space<hbm>> -> memref<64x128xf32, #tpu.memory_space<hbm>>
      tpu.enqueue_dma source(%arg11 : memref<64x128xf32, #tpu.memory_space<vmem>>) target(%dma_start3A_180 : memref<64x128xf32, #tpu.memory_space<hbm>>) target_semaphore(%arg31 : memref<!tpu.dma_semaphore, #tpu.memory_space<semaphore_mem>>)
      %add3A_181 = arith.constant 6 : i32
      %add3A_182 = arith.addi %mul3A_79, %add3A_181 : i32
      %dma_wait3A_183 = arith.constant 0 : i32
      %dma_wait3A_184 = tpu.memref_slice %arg5[%add3A_182, %dma_wait3A_183] : memref<100x64xi32, #tpu.memory_space<vmem>> -> memref<1x64xi32, #tpu.memory_space<vmem>>
      %dma_wait3A_185 = tpu.memref_squeeze %dma_wait3A_184 : memref<1x64xi32, #tpu.memory_space<vmem>> -> memref<64xi32, #tpu.memory_space<vmem>>
      %dma_wait3A_186 = arith.constant 0 : i32
      %dma_wait3A_187 = arith.constant 0 : i32
      %dma_wait3A_188 = tpu.memref_slice %arg2[%dma_wait3A_186, %dma_wait3A_187] : memref<100000x128xf32, #tpu.memory_space<hbm>> -> memref<100000x128xf32, #tpu.memory_space<hbm>>
      tpu.wait_indirect_dma semaphore(%arg22 : memref<!tpu.dma_semaphore, #tpu.memory_space<semaphore_mem>>) src(%dma_wait3A_188 : memref<100000x128xf32, #tpu.memory_space<hbm>>) dst(%arg12 : memref<64x128xf32, #tpu.memory_space<vmem>>)
      %add3A_189 = arith.constant 6 : i32
      %add3A_190 = arith.addi %mul3A_79, %add3A_189 : i32
      %mul3A_191 = arith.constant 64 : i32
      %mul3A_192 = arith.muli %add3A_190, %mul3A_191 : i32
      %add3A_193 = arith.addi %mul3A_2, %mul3A_192 : i32
      %dma_start3A_194 = arith.constant 0 : i32
      %dma_start3A_195 = tpu.memref_slice %arg4[%add3A_193, %dma_start3A_194] : memref<204800x128xf32, #tpu.memory_space<hbm>> -> memref<64x128xf32, #tpu.memory_space<hbm>>
      %dma_start3A_196 = arith.constant 0 : i32
      %dma_start3A_197 = tpu.memref_slice %arg4[%add3A_193, %dma_start3A_196] : memref<204800x128xf32, #tpu.memory_space<hbm>> -> memref<64x128xf32, #tpu.memory_space<hbm>>
      tpu.enqueue_dma source(%arg12 : memref<64x128xf32, #tpu.memory_space<vmem>>) target(%dma_start3A_197 : memref<64x128xf32, #tpu.memory_space<hbm>>) target_semaphore(%arg32 : memref<!tpu.dma_semaphore, #tpu.memory_space<semaphore_mem>>)
      %add3A_198 = arith.constant 7 : i32
      %add3A_199 = arith.addi %mul3A_79, %add3A_198 : i32
      %dma_wait3A_200 = arith.constant 0 : i32
      %dma_wait3A_201 = tpu.memref_slice %arg5[%add3A_199, %dma_wait3A_200] : memref<100x64xi32, #tpu.memory_space<vmem>> -> memref<1x64xi32, #tpu.memory_space<vmem>>
      %dma_wait3A_202 = tpu.memref_squeeze %dma_wait3A_201 : memref<1x64xi32, #tpu.memory_space<vmem>> -> memref<64xi32, #tpu.memory_space<vmem>>
      %dma_wait3A_203 = arith.constant 0 : i32
      %dma_wait3A_204 = arith.constant 0 : i32
      %dma_wait3A_205 = tpu.memref_slice %arg2[%dma_wait3A_203, %dma_wait3A_204] : memref<100000x128xf32, #tpu.memory_space<hbm>> -> memref<100000x128xf32, #tpu.memory_space<hbm>>
      tpu.wait_indirect_dma semaphore(%arg23 : memref<!tpu.dma_semaphore, #tpu.memory_space<semaphore_mem>>) src(%dma_wait3A_205 : memref<100000x128xf32, #tpu.memory_space<hbm>>) dst(%arg13 : memref<64x128xf32, #tpu.memory_space<vmem>>)
      %add3A_206 = arith.constant 7 : i32
      %add3A_207 = arith.addi %mul3A_79, %add3A_206 : i32
      %mul3A_208 = arith.constant 64 : i32
      %mul3A_209 = arith.muli %add3A_207, %mul3A_208 : i32
      %add3A_210 = arith.addi %mul3A_2, %mul3A_209 : i32
      %dma_start3A_211 = arith.constant 0 : i32
      %dma_start3A_212 = tpu.memref_slice %arg4[%add3A_210, %dma_start3A_211] : memref<204800x128xf32, #tpu.memory_space<hbm>> -> memref<64x128xf32, #tpu.memory_space<hbm>>
      %dma_start3A_213 = arith.constant 0 : i32
      %dma_start3A_214 = tpu.memref_slice %arg4[%add3A_210, %dma_start3A_213] : memref<204800x128xf32, #tpu.memory_space<hbm>> -> memref<64x128xf32, #tpu.memory_space<hbm>>
      tpu.enqueue_dma source(%arg13 : memref<64x128xf32, #tpu.memory_space<vmem>>) target(%dma_start3A_214 : memref<64x128xf32, #tpu.memory_space<hbm>>) target_semaphore(%arg33 : memref<!tpu.dma_semaphore, #tpu.memory_space<semaphore_mem>>)
      %add3A_215 = arith.constant 8 : i32
      %add3A_216 = arith.addi %mul3A_79, %add3A_215 : i32
      %dma_wait3A_217 = arith.constant 0 : i32
      %dma_wait3A_218 = tpu.memref_slice %arg5[%add3A_216, %dma_wait3A_217] : memref<100x64xi32, #tpu.memory_space<vmem>> -> memref<1x64xi32, #tpu.memory_space<vmem>>
      %dma_wait3A_219 = tpu.memref_squeeze %dma_wait3A_218 : memref<1x64xi32, #tpu.memory_space<vmem>> -> memref<64xi32, #tpu.memory_space<vmem>>
      %dma_wait3A_220 = arith.constant 0 : i32
      %dma_wait3A_221 = arith.constant 0 : i32
      %dma_wait3A_222 = tpu.memref_slice %arg2[%dma_wait3A_220, %dma_wait3A_221] : memref<100000x128xf32, #tpu.memory_space<hbm>> -> memref<100000x128xf32, #tpu.memory_space<hbm>>
      tpu.wait_indirect_dma semaphore(%arg24 : memref<!tpu.dma_semaphore, #tpu.memory_space<semaphore_mem>>) src(%dma_wait3A_222 : memref<100000x128xf32, #tpu.memory_space<hbm>>) dst(%arg14 : memref<64x128xf32, #tpu.memory_space<vmem>>)
      %add3A_223 = arith.constant 8 : i32
      %add3A_224 = arith.addi %mul3A_79, %add3A_223 : i32
      %mul3A_225 = arith.constant 64 : i32
      %mul3A_226 = arith.muli %add3A_224, %mul3A_225 : i32
      %add3A_227 = arith.addi %mul3A_2, %mul3A_226 : i32
      %dma_start3A_228 = arith.constant 0 : i32
      %dma_start3A_229 = tpu.memref_slice %arg4[%add3A_227, %dma_start3A_228] : memref<204800x128xf32, #tpu.memory_space<hbm>> -> memref<64x128xf32, #tpu.memory_space<hbm>>
      %dma_start3A_230 = arith.constant 0 : i32
      %dma_start3A_231 = tpu.memref_slice %arg4[%add3A_227, %dma_start3A_230] : memref<204800x128xf32, #tpu.memory_space<hbm>> -> memref<64x128xf32, #tpu.memory_space<hbm>>
      tpu.enqueue_dma source(%arg14 : memref<64x128xf32, #tpu.memory_space<vmem>>) target(%dma_start3A_231 : memref<64x128xf32, #tpu.memory_space<hbm>>) target_semaphore(%arg34 : memref<!tpu.dma_semaphore, #tpu.memory_space<semaphore_mem>>)
      %add3A_232 = arith.constant 9 : i32
      %add3A_233 = arith.addi %mul3A_79, %add3A_232 : i32
      %dma_wait3A_234 = arith.constant 0 : i32
      %dma_wait3A_235 = tpu.memref_slice %arg5[%add3A_233, %dma_wait3A_234] : memref<100x64xi32, #tpu.memory_space<vmem>> -> memref<1x64xi32, #tpu.memory_space<vmem>>
      %dma_wait3A_236 = tpu.memref_squeeze %dma_wait3A_235 : memref<1x64xi32, #tpu.memory_space<vmem>> -> memref<64xi32, #tpu.memory_space<vmem>>
      %dma_wait3A_237 = arith.constant 0 : i32
      %dma_wait3A_238 = arith.constant 0 : i32
      %dma_wait3A_239 = tpu.memref_slice %arg2[%dma_wait3A_237, %dma_wait3A_238] : memref<100000x128xf32, #tpu.memory_space<hbm>> -> memref<100000x128xf32, #tpu.memory_space<hbm>>
      tpu.wait_indirect_dma semaphore(%arg25 : memref<!tpu.dma_semaphore, #tpu.memory_space<semaphore_mem>>) src(%dma_wait3A_239 : memref<100000x128xf32, #tpu.memory_space<hbm>>) dst(%arg15 : memref<64x128xf32, #tpu.memory_space<vmem>>)
      %add3A_240 = arith.constant 9 : i32
      %add3A_241 = arith.addi %mul3A_79, %add3A_240 : i32
      %mul3A_242 = arith.constant 64 : i32
      %mul3A_243 = arith.muli %add3A_241, %mul3A_242 : i32
      %add3A_244 = arith.addi %mul3A_2, %mul3A_243 : i32
      %dma_start3A_245 = arith.constant 0 : i32
      %dma_start3A_246 = tpu.memref_slice %arg4[%add3A_244, %dma_start3A_245] : memref<204800x128xf32, #tpu.memory_space<hbm>> -> memref<64x128xf32, #tpu.memory_space<hbm>>
      %dma_start3A_247 = arith.constant 0 : i32
      %dma_start3A_248 = tpu.memref_slice %arg4[%add3A_244, %dma_start3A_247] : memref<204800x128xf32, #tpu.memory_space<hbm>> -> memref<64x128xf32, #tpu.memory_space<hbm>>
      tpu.enqueue_dma source(%arg15 : memref<64x128xf32, #tpu.memory_space<vmem>>) target(%dma_start3A_248 : memref<64x128xf32, #tpu.memory_space<hbm>>) target_semaphore(%arg35 : memref<!tpu.dma_semaphore, #tpu.memory_space<semaphore_mem>>)
      %add3A_249 = arith.constant 0 : i32
      %add3A_250 = arith.addi %mul3A_79, %add3A_249 : i32
      %mul3A_251 = arith.constant 64 : i32
      %mul3A_252 = arith.muli %add3A_250, %mul3A_251 : i32
      %add3A_253 = arith.addi %mul3A_2, %mul3A_252 : i32
      %dma_wait3A_254 = arith.constant 0 : i32
      %dma_wait3A_255 = tpu.memref_slice %arg4[%add3A_253, %dma_wait3A_254] : memref<204800x128xf32, #tpu.memory_space<hbm>> -> memref<64x128xf32, #tpu.memory_space<hbm>>
      %dma_wait3A_256 = arith.constant 0 : i32
      %dma_wait3A_257 = tpu.memref_slice %arg4[%add3A_253, %dma_wait3A_256] : memref<204800x128xf32, #tpu.memory_space<hbm>> -> memref<64x128xf32, #tpu.memory_space<hbm>>
      tpu.wait_dma2 semaphore(%arg26 : memref<!tpu.dma_semaphore, #tpu.memory_space<semaphore_mem>>) src(%arg6 : memref<64x128xf32, #tpu.memory_space<vmem>>) dst(%dma_wait3A_257 : memref<64x128xf32, #tpu.memory_space<hbm>>)
      %lt3A = arith.constant 9 : i32
      %lt3A_258 = arith.cmpi slt, %scan3A_77, %lt3A : i32
      %convert_element_type3A = arith.extui %lt3A_258 : i1 to i32
      %cond3A = arith.constant 0 : i32
      %cond3A_259 = arith.cmpi ne, %convert_element_type3A, %cond3A : i32
      scf.if %cond3A_259 {
        %add3A_386 = arith.constant 10 : i32
        %add3A_387 = arith.addi %mul3A_79, %add3A_386 : i32
        %add3A_388 = arith.constant 0 : i32
        %add3A_389 = arith.addi %add3A_387, %add3A_388 : i32
        %dma_start3A_390 = arith.constant 0 : i32
        %dma_start3A_391 = tpu.memref_slice %arg5[%add3A_389, %dma_start3A_390] : memref<100x64xi32, #tpu.memory_space<vmem>> -> memref<1x64xi32, #tpu.memory_space<vmem>>
        %dma_start3A_392 = tpu.memref_squeeze %dma_start3A_391 : memref<1x64xi32, #tpu.memory_space<vmem>> -> memref<64xi32, #tpu.memory_space<vmem>>
        %dma_start3A_393 = arith.constant 0 : i32
        %dma_start3A_394 = arith.constant 0 : i32
        %dma_start3A_395 = tpu.memref_slice %arg2[%dma_start3A_393, %dma_start3A_394] : memref<100000x128xf32, #tpu.memory_space<hbm>> -> memref<100000x128xf32, #tpu.memory_space<hbm>>
        tpu.enqueue_indirect_dma source(%dma_start3A_395 : memref<100000x128xf32, #tpu.memory_space<hbm>>) target(%arg6 : memref<64x128xf32, #tpu.memory_space<vmem>>) offsets(%dma_start3A_392 : memref<64xi32, #tpu.memory_space<vmem>>) semaphore(%arg16 : memref<!tpu.dma_semaphore, #tpu.memory_space<semaphore_mem>>)
      } else {
      }
      %add3A_260 = arith.constant 1 : i32
      %add3A_261 = arith.addi %mul3A_79, %add3A_260 : i32
      %mul3A_262 = arith.constant 64 : i32
      %mul3A_263 = arith.muli %add3A_261, %mul3A_262 : i32
      %add3A_264 = arith.addi %mul3A_2, %mul3A_263 : i32
      %dma_wait3A_265 = arith.constant 0 : i32
      %dma_wait3A_266 = tpu.memref_slice %arg4[%add3A_264, %dma_wait3A_265] : memref<204800x128xf32, #tpu.memory_space<hbm>> -> memref<64x128xf32, #tpu.memory_space<hbm>>
      %dma_wait3A_267 = arith.constant 0 : i32
      %dma_wait3A_268 = tpu.memref_slice %arg4[%add3A_264, %dma_wait3A_267] : memref<204800x128xf32, #tpu.memory_space<hbm>> -> memref<64x128xf32, #tpu.memory_space<hbm>>
      tpu.wait_dma2 semaphore(%arg27 : memref<!tpu.dma_semaphore, #tpu.memory_space<semaphore_mem>>) src(%arg7 : memref<64x128xf32, #tpu.memory_space<vmem>>) dst(%dma_wait3A_268 : memref<64x128xf32, #tpu.memory_space<hbm>>)
      %lt3A_269 = arith.constant 9 : i32
      %lt3A_270 = arith.cmpi slt, %scan3A_77, %lt3A_269 : i32
      %convert_element_type3A_271 = arith.extui %lt3A_270 : i1 to i32
      %cond3A_272 = arith.constant 0 : i32
      %cond3A_273 = arith.cmpi ne, %convert_element_type3A_271, %cond3A_272 : i32
      scf.if %cond3A_273 {
        %add3A_386 = arith.constant 10 : i32
        %add3A_387 = arith.addi %mul3A_79, %add3A_386 : i32
        %add3A_388 = arith.constant 1 : i32
        %add3A_389 = arith.addi %add3A_387, %add3A_388 : i32
        %dma_start3A_390 = arith.constant 0 : i32
        %dma_start3A_391 = tpu.memref_slice %arg5[%add3A_389, %dma_start3A_390] : memref<100x64xi32, #tpu.memory_space<vmem>> -> memref<1x64xi32, #tpu.memory_space<vmem>>
        %dma_start3A_392 = tpu.memref_squeeze %dma_start3A_391 : memref<1x64xi32, #tpu.memory_space<vmem>> -> memref<64xi32, #tpu.memory_space<vmem>>
        %dma_start3A_393 = arith.constant 0 : i32
        %dma_start3A_394 = arith.constant 0 : i32
        %dma_start3A_395 = tpu.memref_slice %arg2[%dma_start3A_393, %dma_start3A_394] : memref<100000x128xf32, #tpu.memory_space<hbm>> -> memref<100000x128xf32, #tpu.memory_space<hbm>>
        tpu.enqueue_indirect_dma source(%dma_start3A_395 : memref<100000x128xf32, #tpu.memory_space<hbm>>) target(%arg7 : memref<64x128xf32, #tpu.memory_space<vmem>>) offsets(%dma_start3A_392 : memref<64xi32, #tpu.memory_space<vmem>>) semaphore(%arg17 : memref<!tpu.dma_semaphore, #tpu.memory_space<semaphore_mem>>)
      } else {
      }
      %add3A_274 = arith.constant 2 : i32
      %add3A_275 = arith.addi %mul3A_79, %add3A_274 : i32
      %mul3A_276 = arith.constant 64 : i32
      %mul3A_277 = arith.muli %add3A_275, %mul3A_276 : i32
      %add3A_278 = arith.addi %mul3A_2, %mul3A_277 : i32
      %dma_wait3A_279 = arith.constant 0 : i32
      %dma_wait3A_280 = tpu.memref_slice %arg4[%add3A_278, %dma_wait3A_279] : memref<204800x128xf32, #tpu.memory_space<hbm>> -> memref<64x128xf32, #tpu.memory_space<hbm>>
      %dma_wait3A_281 = arith.constant 0 : i32
      %dma_wait3A_282 = tpu.memref_slice %arg4[%add3A_278, %dma_wait3A_281] : memref<204800x128xf32, #tpu.memory_space<hbm>> -> memref<64x128xf32, #tpu.memory_space<hbm>>
      tpu.wait_dma2 semaphore(%arg28 : memref<!tpu.dma_semaphore, #tpu.memory_space<semaphore_mem>>) src(%arg8 : memref<64x128xf32, #tpu.memory_space<vmem>>) dst(%dma_wait3A_282 : memref<64x128xf32, #tpu.memory_space<hbm>>)
      %lt3A_283 = arith.constant 9 : i32
      %lt3A_284 = arith.cmpi slt, %scan3A_77, %lt3A_283 : i32
      %convert_element_type3A_285 = arith.extui %lt3A_284 : i1 to i32
      %cond3A_286 = arith.constant 0 : i32
      %cond3A_287 = arith.cmpi ne, %convert_element_type3A_285, %cond3A_286 : i32
      scf.if %cond3A_287 {
        %add3A_386 = arith.constant 10 : i32
        %add3A_387 = arith.addi %mul3A_79, %add3A_386 : i32
        %add3A_388 = arith.constant 2 : i32
        %add3A_389 = arith.addi %add3A_387, %add3A_388 : i32
        %dma_start3A_390 = arith.constant 0 : i32
        %dma_start3A_391 = tpu.memref_slice %arg5[%add3A_389, %dma_start3A_390] : memref<100x64xi32, #tpu.memory_space<vmem>> -> memref<1x64xi32, #tpu.memory_space<vmem>>
        %dma_start3A_392 = tpu.memref_squeeze %dma_start3A_391 : memref<1x64xi32, #tpu.memory_space<vmem>> -> memref<64xi32, #tpu.memory_space<vmem>>
        %dma_start3A_393 = arith.constant 0 : i32
        %dma_start3A_394 = arith.constant 0 : i32
        %dma_start3A_395 = tpu.memref_slice %arg2[%dma_start3A_393, %dma_start3A_394] : memref<100000x128xf32, #tpu.memory_space<hbm>> -> memref<100000x128xf32, #tpu.memory_space<hbm>>
        tpu.enqueue_indirect_dma source(%dma_start3A_395 : memref<100000x128xf32, #tpu.memory_space<hbm>>) target(%arg8 : memref<64x128xf32, #tpu.memory_space<vmem>>) offsets(%dma_start3A_392 : memref<64xi32, #tpu.memory_space<vmem>>) semaphore(%arg18 : memref<!tpu.dma_semaphore, #tpu.memory_space<semaphore_mem>>)
      } else {
      }
      %add3A_288 = arith.constant 3 : i32
      %add3A_289 = arith.addi %mul3A_79, %add3A_288 : i32
      %mul3A_290 = arith.constant 64 : i32
      %mul3A_291 = arith.muli %add3A_289, %mul3A_290 : i32
      %add3A_292 = arith.addi %mul3A_2, %mul3A_291 : i32
      %dma_wait3A_293 = arith.constant 0 : i32
      %dma_wait3A_294 = tpu.memref_slice %arg4[%add3A_292, %dma_wait3A_293] : memref<204800x128xf32, #tpu.memory_space<hbm>> -> memref<64x128xf32, #tpu.memory_space<hbm>>
      %dma_wait3A_295 = arith.constant 0 : i32
      %dma_wait3A_296 = tpu.memref_slice %arg4[%add3A_292, %dma_wait3A_295] : memref<204800x128xf32, #tpu.memory_space<hbm>> -> memref<64x128xf32, #tpu.memory_space<hbm>>
      tpu.wait_dma2 semaphore(%arg29 : memref<!tpu.dma_semaphore, #tpu.memory_space<semaphore_mem>>) src(%arg9 : memref<64x128xf32, #tpu.memory_space<vmem>>) dst(%dma_wait3A_296 : memref<64x128xf32, #tpu.memory_space<hbm>>)
      %lt3A_297 = arith.constant 9 : i32
      %lt3A_298 = arith.cmpi slt, %scan3A_77, %lt3A_297 : i32
      %convert_element_type3A_299 = arith.extui %lt3A_298 : i1 to i32
      %cond3A_300 = arith.constant 0 : i32
      %cond3A_301 = arith.cmpi ne, %convert_element_type3A_299, %cond3A_300 : i32
      scf.if %cond3A_301 {
        %add3A_386 = arith.constant 10 : i32
        %add3A_387 = arith.addi %mul3A_79, %add3A_386 : i32
        %add3A_388 = arith.constant 3 : i32
        %add3A_389 = arith.addi %add3A_387, %add3A_388 : i32
        %dma_start3A_390 = arith.constant 0 : i32
        %dma_start3A_391 = tpu.memref_slice %arg5[%add3A_389, %dma_start3A_390] : memref<100x64xi32, #tpu.memory_space<vmem>> -> memref<1x64xi32, #tpu.memory_space<vmem>>
        %dma_start3A_392 = tpu.memref_squeeze %dma_start3A_391 : memref<1x64xi32, #tpu.memory_space<vmem>> -> memref<64xi32, #tpu.memory_space<vmem>>
        %dma_start3A_393 = arith.constant 0 : i32
        %dma_start3A_394 = arith.constant 0 : i32
        %dma_start3A_395 = tpu.memref_slice %arg2[%dma_start3A_393, %dma_start3A_394] : memref<100000x128xf32, #tpu.memory_space<hbm>> -> memref<100000x128xf32, #tpu.memory_space<hbm>>
        tpu.enqueue_indirect_dma source(%dma_start3A_395 : memref<100000x128xf32, #tpu.memory_space<hbm>>) target(%arg9 : memref<64x128xf32, #tpu.memory_space<vmem>>) offsets(%dma_start3A_392 : memref<64xi32, #tpu.memory_space<vmem>>) semaphore(%arg19 : memref<!tpu.dma_semaphore, #tpu.memory_space<semaphore_mem>>)
      } else {
      }
      %add3A_302 = arith.constant 4 : i32
      %add3A_303 = arith.addi %mul3A_79, %add3A_302 : i32
      %mul3A_304 = arith.constant 64 : i32
      %mul3A_305 = arith.muli %add3A_303, %mul3A_304 : i32
      %add3A_306 = arith.addi %mul3A_2, %mul3A_305 : i32
      %dma_wait3A_307 = arith.constant 0 : i32
      %dma_wait3A_308 = tpu.memref_slice %arg4[%add3A_306, %dma_wait3A_307] : memref<204800x128xf32, #tpu.memory_space<hbm>> -> memref<64x128xf32, #tpu.memory_space<hbm>>
      %dma_wait3A_309 = arith.constant 0 : i32
      %dma_wait3A_310 = tpu.memref_slice %arg4[%add3A_306, %dma_wait3A_309] : memref<204800x128xf32, #tpu.memory_space<hbm>> -> memref<64x128xf32, #tpu.memory_space<hbm>>
      tpu.wait_dma2 semaphore(%arg30 : memref<!tpu.dma_semaphore, #tpu.memory_space<semaphore_mem>>) src(%arg10 : memref<64x128xf32, #tpu.memory_space<vmem>>) dst(%dma_wait3A_310 : memref<64x128xf32, #tpu.memory_space<hbm>>)
      %lt3A_311 = arith.constant 9 : i32
      %lt3A_312 = arith.cmpi slt, %scan3A_77, %lt3A_311 : i32
      %convert_element_type3A_313 = arith.extui %lt3A_312 : i1 to i32
      %cond3A_314 = arith.constant 0 : i32
      %cond3A_315 = arith.cmpi ne, %convert_element_type3A_313, %cond3A_314 : i32
      scf.if %cond3A_315 {
        %add3A_386 = arith.constant 10 : i32
        %add3A_387 = arith.addi %mul3A_79, %add3A_386 : i32
        %add3A_388 = arith.constant 4 : i32
        %add3A_389 = arith.addi %add3A_387, %add3A_388 : i32
        %dma_start3A_390 = arith.constant 0 : i32
        %dma_start3A_391 = tpu.memref_slice %arg5[%add3A_389, %dma_start3A_390] : memref<100x64xi32, #tpu.memory_space<vmem>> -> memref<1x64xi32, #tpu.memory_space<vmem>>
        %dma_start3A_392 = tpu.memref_squeeze %dma_start3A_391 : memref<1x64xi32, #tpu.memory_space<vmem>> -> memref<64xi32, #tpu.memory_space<vmem>>
        %dma_start3A_393 = arith.constant 0 : i32
        %dma_start3A_394 = arith.constant 0 : i32
        %dma_start3A_395 = tpu.memref_slice %arg2[%dma_start3A_393, %dma_start3A_394] : memref<100000x128xf32, #tpu.memory_space<hbm>> -> memref<100000x128xf32, #tpu.memory_space<hbm>>
        tpu.enqueue_indirect_dma source(%dma_start3A_395 : memref<100000x128xf32, #tpu.memory_space<hbm>>) target(%arg10 : memref<64x128xf32, #tpu.memory_space<vmem>>) offsets(%dma_start3A_392 : memref<64xi32, #tpu.memory_space<vmem>>) semaphore(%arg20 : memref<!tpu.dma_semaphore, #tpu.memory_space<semaphore_mem>>)
      } else {
      }
      %add3A_316 = arith.constant 5 : i32
      %add3A_317 = arith.addi %mul3A_79, %add3A_316 : i32
      %mul3A_318 = arith.constant 64 : i32
      %mul3A_319 = arith.muli %add3A_317, %mul3A_318 : i32
      %add3A_320 = arith.addi %mul3A_2, %mul3A_319 : i32
      %dma_wait3A_321 = arith.constant 0 : i32
      %dma_wait3A_322 = tpu.memref_slice %arg4[%add3A_320, %dma_wait3A_321] : memref<204800x128xf32, #tpu.memory_space<hbm>> -> memref<64x128xf32, #tpu.memory_space<hbm>>
      %dma_wait3A_323 = arith.constant 0 : i32
      %dma_wait3A_324 = tpu.memref_slice %arg4[%add3A_320, %dma_wait3A_323] : memref<204800x128xf32, #tpu.memory_space<hbm>> -> memref<64x128xf32, #tpu.memory_space<hbm>>
      tpu.wait_dma2 semaphore(%arg31 : memref<!tpu.dma_semaphore, #tpu.memory_space<semaphore_mem>>) src(%arg11 : memref<64x128xf32, #tpu.memory_space<vmem>>) dst(%dma_wait3A_324 : memref<64x128xf32, #tpu.memory_space<hbm>>)
      %lt3A_325 = arith.constant 9 : i32
      %lt3A_326 = arith.cmpi slt, %scan3A_77, %lt3A_325 : i32
      %convert_element_type3A_327 = arith.extui %lt3A_326 : i1 to i32
      %cond3A_328 = arith.constant 0 : i32
      %cond3A_329 = arith.cmpi ne, %convert_element_type3A_327, %cond3A_328 : i32
      scf.if %cond3A_329 {
        %add3A_386 = arith.constant 10 : i32
        %add3A_387 = arith.addi %mul3A_79, %add3A_386 : i32
        %add3A_388 = arith.constant 5 : i32
        %add3A_389 = arith.addi %add3A_387, %add3A_388 : i32
        %dma_start3A_390 = arith.constant 0 : i32
        %dma_start3A_391 = tpu.memref_slice %arg5[%add3A_389, %dma_start3A_390] : memref<100x64xi32, #tpu.memory_space<vmem>> -> memref<1x64xi32, #tpu.memory_space<vmem>>
        %dma_start3A_392 = tpu.memref_squeeze %dma_start3A_391 : memref<1x64xi32, #tpu.memory_space<vmem>> -> memref<64xi32, #tpu.memory_space<vmem>>
        %dma_start3A_393 = arith.constant 0 : i32
        %dma_start3A_394 = arith.constant 0 : i32
        %dma_start3A_395 = tpu.memref_slice %arg2[%dma_start3A_393, %dma_start3A_394] : memref<100000x128xf32, #tpu.memory_space<hbm>> -> memref<100000x128xf32, #tpu.memory_space<hbm>>
        tpu.enqueue_indirect_dma source(%dma_start3A_395 : memref<100000x128xf32, #tpu.memory_space<hbm>>) target(%arg11 : memref<64x128xf32, #tpu.memory_space<vmem>>) offsets(%dma_start3A_392 : memref<64xi32, #tpu.memory_space<vmem>>) semaphore(%arg21 : memref<!tpu.dma_semaphore, #tpu.memory_space<semaphore_mem>>)
      } else {
      }
      %add3A_330 = arith.constant 6 : i32
      %add3A_331 = arith.addi %mul3A_79, %add3A_330 : i32
      %mul3A_332 = arith.constant 64 : i32
      %mul3A_333 = arith.muli %add3A_331, %mul3A_332 : i32
      %add3A_334 = arith.addi %mul3A_2, %mul3A_333 : i32
      %dma_wait3A_335 = arith.constant 0 : i32
      %dma_wait3A_336 = tpu.memref_slice %arg4[%add3A_334, %dma_wait3A_335] : memref<204800x128xf32, #tpu.memory_space<hbm>> -> memref<64x128xf32, #tpu.memory_space<hbm>>
      %dma_wait3A_337 = arith.constant 0 : i32
      %dma_wait3A_338 = tpu.memref_slice %arg4[%add3A_334, %dma_wait3A_337] : memref<204800x128xf32, #tpu.memory_space<hbm>> -> memref<64x128xf32, #tpu.memory_space<hbm>>
      tpu.wait_dma2 semaphore(%arg32 : memref<!tpu.dma_semaphore, #tpu.memory_space<semaphore_mem>>) src(%arg12 : memref<64x128xf32, #tpu.memory_space<vmem>>) dst(%dma_wait3A_338 : memref<64x128xf32, #tpu.memory_space<hbm>>)
      %lt3A_339 = arith.constant 9 : i32
      %lt3A_340 = arith.cmpi slt, %scan3A_77, %lt3A_339 : i32
      %convert_element_type3A_341 = arith.extui %lt3A_340 : i1 to i32
      %cond3A_342 = arith.constant 0 : i32
      %cond3A_343 = arith.cmpi ne, %convert_element_type3A_341, %cond3A_342 : i32
      scf.if %cond3A_343 {
        %add3A_386 = arith.constant 10 : i32
        %add3A_387 = arith.addi %mul3A_79, %add3A_386 : i32
        %add3A_388 = arith.constant 6 : i32
        %add3A_389 = arith.addi %add3A_387, %add3A_388 : i32
        %dma_start3A_390 = arith.constant 0 : i32
        %dma_start3A_391 = tpu.memref_slice %arg5[%add3A_389, %dma_start3A_390] : memref<100x64xi32, #tpu.memory_space<vmem>> -> memref<1x64xi32, #tpu.memory_space<vmem>>
        %dma_start3A_392 = tpu.memref_squeeze %dma_start3A_391 : memref<1x64xi32, #tpu.memory_space<vmem>> -> memref<64xi32, #tpu.memory_space<vmem>>
        %dma_start3A_393 = arith.constant 0 : i32
        %dma_start3A_394 = arith.constant 0 : i32
        %dma_start3A_395 = tpu.memref_slice %arg2[%dma_start3A_393, %dma_start3A_394] : memref<100000x128xf32, #tpu.memory_space<hbm>> -> memref<100000x128xf32, #tpu.memory_space<hbm>>
        tpu.enqueue_indirect_dma source(%dma_start3A_395 : memref<100000x128xf32, #tpu.memory_space<hbm>>) target(%arg12 : memref<64x128xf32, #tpu.memory_space<vmem>>) offsets(%dma_start3A_392 : memref<64xi32, #tpu.memory_space<vmem>>) semaphore(%arg22 : memref<!tpu.dma_semaphore, #tpu.memory_space<semaphore_mem>>)
      } else {
      }
      %add3A_344 = arith.constant 7 : i32
      %add3A_345 = arith.addi %mul3A_79, %add3A_344 : i32
      %mul3A_346 = arith.constant 64 : i32
      %mul3A_347 = arith.muli %add3A_345, %mul3A_346 : i32
      %add3A_348 = arith.addi %mul3A_2, %mul3A_347 : i32
      %dma_wait3A_349 = arith.constant 0 : i32
      %dma_wait3A_350 = tpu.memref_slice %arg4[%add3A_348, %dma_wait3A_349] : memref<204800x128xf32, #tpu.memory_space<hbm>> -> memref<64x128xf32, #tpu.memory_space<hbm>>
      %dma_wait3A_351 = arith.constant 0 : i32
      %dma_wait3A_352 = tpu.memref_slice %arg4[%add3A_348, %dma_wait3A_351] : memref<204800x128xf32, #tpu.memory_space<hbm>> -> memref<64x128xf32, #tpu.memory_space<hbm>>
      tpu.wait_dma2 semaphore(%arg33 : memref<!tpu.dma_semaphore, #tpu.memory_space<semaphore_mem>>) src(%arg13 : memref<64x128xf32, #tpu.memory_space<vmem>>) dst(%dma_wait3A_352 : memref<64x128xf32, #tpu.memory_space<hbm>>)
      %lt3A_353 = arith.constant 9 : i32
      %lt3A_354 = arith.cmpi slt, %scan3A_77, %lt3A_353 : i32
      %convert_element_type3A_355 = arith.extui %lt3A_354 : i1 to i32
      %cond3A_356 = arith.constant 0 : i32
      %cond3A_357 = arith.cmpi ne, %convert_element_type3A_355, %cond3A_356 : i32
      scf.if %cond3A_357 {
        %add3A_386 = arith.constant 10 : i32
        %add3A_387 = arith.addi %mul3A_79, %add3A_386 : i32
        %add3A_388 = arith.constant 7 : i32
        %add3A_389 = arith.addi %add3A_387, %add3A_388 : i32
        %dma_start3A_390 = arith.constant 0 : i32
        %dma_start3A_391 = tpu.memref_slice %arg5[%add3A_389, %dma_start3A_390] : memref<100x64xi32, #tpu.memory_space<vmem>> -> memref<1x64xi32, #tpu.memory_space<vmem>>
        %dma_start3A_392 = tpu.memref_squeeze %dma_start3A_391 : memref<1x64xi32, #tpu.memory_space<vmem>> -> memref<64xi32, #tpu.memory_space<vmem>>
        %dma_start3A_393 = arith.constant 0 : i32
        %dma_start3A_394 = arith.constant 0 : i32
        %dma_start3A_395 = tpu.memref_slice %arg2[%dma_start3A_393, %dma_start3A_394] : memref<100000x128xf32, #tpu.memory_space<hbm>> -> memref<100000x128xf32, #tpu.memory_space<hbm>>
        tpu.enqueue_indirect_dma source(%dma_start3A_395 : memref<100000x128xf32, #tpu.memory_space<hbm>>) target(%arg13 : memref<64x128xf32, #tpu.memory_space<vmem>>) offsets(%dma_start3A_392 : memref<64xi32, #tpu.memory_space<vmem>>) semaphore(%arg23 : memref<!tpu.dma_semaphore, #tpu.memory_space<semaphore_mem>>)
      } else {
      }
      %add3A_358 = arith.constant 8 : i32
      %add3A_359 = arith.addi %mul3A_79, %add3A_358 : i32
      %mul3A_360 = arith.constant 64 : i32
      %mul3A_361 = arith.muli %add3A_359, %mul3A_360 : i32
      %add3A_362 = arith.addi %mul3A_2, %mul3A_361 : i32
      %dma_wait3A_363 = arith.constant 0 : i32
      %dma_wait3A_364 = tpu.memref_slice %arg4[%add3A_362, %dma_wait3A_363] : memref<204800x128xf32, #tpu.memory_space<hbm>> -> memref<64x128xf32, #tpu.memory_space<hbm>>
      %dma_wait3A_365 = arith.constant 0 : i32
      %dma_wait3A_366 = tpu.memref_slice %arg4[%add3A_362, %dma_wait3A_365] : memref<204800x128xf32, #tpu.memory_space<hbm>> -> memref<64x128xf32, #tpu.memory_space<hbm>>
      tpu.wait_dma2 semaphore(%arg34 : memref<!tpu.dma_semaphore, #tpu.memory_space<semaphore_mem>>) src(%arg14 : memref<64x128xf32, #tpu.memory_space<vmem>>) dst(%dma_wait3A_366 : memref<64x128xf32, #tpu.memory_space<hbm>>)
      %lt3A_367 = arith.constant 9 : i32
      %lt3A_368 = arith.cmpi slt, %scan3A_77, %lt3A_367 : i32
      %convert_element_type3A_369 = arith.extui %lt3A_368 : i1 to i32
      %cond3A_370 = arith.constant 0 : i32
      %cond3A_371 = arith.cmpi ne, %convert_element_type3A_369, %cond3A_370 : i32
      scf.if %cond3A_371 {
        %add3A_386 = arith.constant 10 : i32
        %add3A_387 = arith.addi %mul3A_79, %add3A_386 : i32
        %add3A_388 = arith.constant 8 : i32
        %add3A_389 = arith.addi %add3A_387, %add3A_388 : i32
        %dma_start3A_390 = arith.constant 0 : i32
        %dma_start3A_391 = tpu.memref_slice %arg5[%add3A_389, %dma_start3A_390] : memref<100x64xi32, #tpu.memory_space<vmem>> -> memref<1x64xi32, #tpu.memory_space<vmem>>
        %dma_start3A_392 = tpu.memref_squeeze %dma_start3A_391 : memref<1x64xi32, #tpu.memory_space<vmem>> -> memref<64xi32, #tpu.memory_space<vmem>>
        %dma_start3A_393 = arith.constant 0 : i32
        %dma_start3A_394 = arith.constant 0 : i32
        %dma_start3A_395 = tpu.memref_slice %arg2[%dma_start3A_393, %dma_start3A_394] : memref<100000x128xf32, #tpu.memory_space<hbm>> -> memref<100000x128xf32, #tpu.memory_space<hbm>>
        tpu.enqueue_indirect_dma source(%dma_start3A_395 : memref<100000x128xf32, #tpu.memory_space<hbm>>) target(%arg14 : memref<64x128xf32, #tpu.memory_space<vmem>>) offsets(%dma_start3A_392 : memref<64xi32, #tpu.memory_space<vmem>>) semaphore(%arg24 : memref<!tpu.dma_semaphore, #tpu.memory_space<semaphore_mem>>)
      } else {
      }
      %add3A_372 = arith.constant 9 : i32
      %add3A_373 = arith.addi %mul3A_79, %add3A_372 : i32
      %mul3A_374 = arith.constant 64 : i32
      %mul3A_375 = arith.muli %add3A_373, %mul3A_374 : i32
      %add3A_376 = arith.addi %mul3A_2, %mul3A_375 : i32
      %dma_wait3A_377 = arith.constant 0 : i32
      %dma_wait3A_378 = tpu.memref_slice %arg4[%add3A_376, %dma_wait3A_377] : memref<204800x128xf32, #tpu.memory_space<hbm>> -> memref<64x128xf32, #tpu.memory_space<hbm>>
      %dma_wait3A_379 = arith.constant 0 : i32
      %dma_wait3A_380 = tpu.memref_slice %arg4[%add3A_376, %dma_wait3A_379] : memref<204800x128xf32, #tpu.memory_space<hbm>> -> memref<64x128xf32, #tpu.memory_space<hbm>>
      tpu.wait_dma2 semaphore(%arg35 : memref<!tpu.dma_semaphore, #tpu.memory_space<semaphore_mem>>) src(%arg15 : memref<64x128xf32, #tpu.memory_space<vmem>>) dst(%dma_wait3A_380 : memref<64x128xf32, #tpu.memory_space<hbm>>)
      %lt3A_381 = arith.constant 9 : i32
      %lt3A_382 = arith.cmpi slt, %scan3A_77, %lt3A_381 : i32
      %convert_element_type3A_383 = arith.extui %lt3A_382 : i1 to i32
      %cond3A_384 = arith.constant 0 : i32
      %cond3A_385 = arith.cmpi ne, %convert_element_type3A_383, %cond3A_384 : i32
      scf.if %cond3A_385 {
        %add3A_386 = arith.constant 10 : i32
        %add3A_387 = arith.addi %mul3A_79, %add3A_386 : i32
        %add3A_388 = arith.constant 9 : i32
        %add3A_389 = arith.addi %add3A_387, %add3A_388 : i32
        %dma_start3A_390 = arith.constant 0 : i32
        %dma_start3A_391 = tpu.memref_slice %arg5[%add3A_389, %dma_start3A_390] : memref<100x64xi32, #tpu.memory_space<vmem>> -> memref<1x64xi32, #tpu.memory_space<vmem>>
        %dma_start3A_392 = tpu.memref_squeeze %dma_start3A_391 : memref<1x64xi32, #tpu.memory_space<vmem>> -> memref<64xi32, #tpu.memory_space<vmem>>
        %dma_start3A_393 = arith.constant 0 : i32
        %dma_start3A_394 = arith.constant 0 : i32
        %dma_start3A_395 = tpu.memref_slice %arg2[%dma_start3A_393, %dma_start3A_394] : memref<100000x128xf32, #tpu.memory_space<hbm>> -> memref<100000x128xf32, #tpu.memory_space<hbm>>
        tpu.enqueue_indirect_dma source(%dma_start3A_395 : memref<100000x128xf32, #tpu.memory_space<hbm>>) target(%arg15 : memref<64x128xf32, #tpu.memory_space<vmem>>) offsets(%dma_start3A_392 : memref<64xi32, #tpu.memory_space<vmem>>) semaphore(%arg25 : memref<!tpu.dma_semaphore, #tpu.memory_space<semaphore_mem>>)
      } else {
      }
    }
    %scan3A_76 = arith.constant 10 : i32
    return
  }
}

module attributes {stable_mosaic.version = 14 : i64} {
  func.func @_highway_body(%arg0: i32, %arg1: memref<10000x128xf32, #tpu.memory_space<vmem>>, %arg2: memref<128x128xf32, #tpu.memory_space<vmem>>, %arg3: memref<128x128xf32, #tpu.memory_space<vmem>>, %arg4: memref<1x128xf32, #tpu.memory_space<vmem>>, %arg5: memref<128x128xf32, #tpu.memory_space<vmem>>, %arg6: memref<1x128xf32, #tpu.memory_space<vmem>>, %arg7: memref<128x128xf32, #tpu.memory_space<vmem>>, %arg8: memref<1x128xf32, #tpu.memory_space<vmem>>, %arg9: memref<128x128xf32, #tpu.memory_space<vmem>>, %arg10: memref<1x128xf32, #tpu.memory_space<vmem>>, %arg11: memref<10000x128xf32, #tpu.memory_space<vmem>>) attributes {dimension_semantics = [#tpu.dimension_semantics<arbitrary>], iteration_bounds = array<i64: 10>, scalar_prefetch = 0 : i64, scratch_operands = 0 : i64, tpu.core_type = #tpu.core_type<tc>, window_params = [{transform_indices = @transform_0, window_bounds = array<i64: 10000, 128>}, {pipeline_mode = #tpu.pipeline_mode<synchronous>, transform_indices = @transform_1, window_bounds = array<i64: 128, 128>}, {pipeline_mode = #tpu.pipeline_mode<synchronous>, transform_indices = @transform_2, window_bounds = array<i64: 128, 128>}, {pipeline_mode = #tpu.pipeline_mode<synchronous>, transform_indices = @transform_3, window_bounds = array<i64: 1, 128>}, {pipeline_mode = #tpu.pipeline_mode<synchronous>, transform_indices = @transform_4, window_bounds = array<i64: 128, 128>}, {pipeline_mode = #tpu.pipeline_mode<synchronous>, transform_indices = @transform_5, window_bounds = array<i64: 1, 128>}, {pipeline_mode = #tpu.pipeline_mode<synchronous>, transform_indices = @transform_6, window_bounds = array<i64: 128, 128>}, {pipeline_mode = #tpu.pipeline_mode<synchronous>, transform_indices = @transform_7, window_bounds = array<i64: 1, 128>}, {pipeline_mode = #tpu.pipeline_mode<synchronous>, transform_indices = @transform_8, window_bounds = array<i64: 128, 128>}, {pipeline_mode = #tpu.pipeline_mode<synchronous>, transform_indices = @transform_9, window_bounds = array<i64: 1, 128>}, {transform_indices = @transform_10, window_bounds = array<i64: 10000, 128>}]} {
    %get3A = arith.constant 0 : index
    %get3A_0 = arith.constant 0 : index
    %get3A_1 = vector.load %arg1[%get3A, %get3A_0] : memref<10000x128xf32, #tpu.memory_space<vmem>>, vector<10000x128xf32>
    %get3A_2 = arith.constant 0 : index
    %get3A_3 = arith.constant 0 : index
    %get3A_4 = vector.load %arg2[%get3A_2, %get3A_3] : memref<128x128xf32, #tpu.memory_space<vmem>>, vector<128x128xf32>
    %dot_general3A = arith.constant dense<0.000000e+00> : vector<10000x128xf32>
    %dot_general3A_5 = tpu.matmul %get3A_1, %get3A_4, %dot_general3A {dimension_numbers = #tpu.dot_dimension_numbers<[1], [1], [0], [0], [0, 0, 1, 0], [], []>, transpose_lhs_hint = false} : vector<10000x128xf32>, vector<128x128xf32>, vector<10000x128xf32> -> vector<10000x128xf32>
    %get3A_6 = arith.constant 0 : index
    %get3A_7 = arith.constant 0 : index
    %get3A_8 = vector.load %arg5[%get3A_6, %get3A_7] : memref<128x128xf32, #tpu.memory_space<vmem>>, vector<128x128xf32>
    %dot_general3A_9 = arith.constant dense<0.000000e+00> : vector<10000x128xf32>
    %dot_general3A_10 = tpu.matmul %dot_general3A_5, %get3A_8, %dot_general3A_9 {dimension_numbers = #tpu.dot_dimension_numbers<[1], [1], [0], [0], [0, 0, 1, 0], [], []>, transpose_lhs_hint = false} : vector<10000x128xf32>, vector<128x128xf32>, vector<10000x128xf32> -> vector<10000x128xf32>
    %get3A_11 = arith.constant 0 : index
    %get3A_12 = arith.constant 0 : index
    %get3A_13 = vector.load %arg6[%get3A_11, %get3A_12] : memref<1x128xf32, #tpu.memory_space<vmem>>, vector<1x128xf32>
    %add3A = vector.broadcast %get3A_13 : vector<1x128xf32> to vector<10000x128xf32>
    %add3A_14 = arith.addf %dot_general3A_10, %add3A : vector<10000x128xf32>
    %get3A_15 = arith.constant 0 : index
    %get3A_16 = arith.constant 0 : index
    %get3A_17 = vector.load %arg3[%get3A_15, %get3A_16] : memref<128x128xf32, #tpu.memory_space<vmem>>, vector<128x128xf32>
    %dot_general3A_18 = arith.constant dense<0.000000e+00> : vector<10000x128xf32>
    %dot_general3A_19 = tpu.matmul %dot_general3A_5, %get3A_17, %dot_general3A_18 {dimension_numbers = #tpu.dot_dimension_numbers<[1], [1], [0], [0], [0, 0, 1, 0], [], []>, transpose_lhs_hint = false} : vector<10000x128xf32>, vector<128x128xf32>, vector<10000x128xf32> -> vector<10000x128xf32>
    %get3A_20 = arith.constant 0 : index
    %get3A_21 = arith.constant 0 : index
    %get3A_22 = vector.load %arg4[%get3A_20, %get3A_21] : memref<1x128xf32, #tpu.memory_space<vmem>>, vector<1x128xf32>
    %add3A_23 = vector.broadcast %get3A_22 : vector<1x128xf32> to vector<10000x128xf32>
    %add3A_24 = arith.addf %dot_general3A_19, %add3A_23 : vector<10000x128xf32>
    %neg3A = arith.constant 0.000000e+00 : f32
    %neg3A_25 = vector.broadcast %neg3A : f32 to vector<10000x128xf32>
    %neg3A_26 = arith.subf %neg3A_25, %add3A_14 : vector<10000x128xf32>
    %exp3A = math.exp %neg3A_26 : vector<10000x128xf32>
    %add3A_27 = arith.constant 1.000000e+00 : f32
    %add3A_28 = vector.broadcast %add3A_27 : f32 to vector<10000x128xf32>
    %add3A_29 = arith.addf %add3A_28, %exp3A : vector<10000x128xf32>
    %div3A = arith.constant 1.000000e+00 : f32
    %div3A_30 = vector.broadcast %div3A : f32 to vector<10000x128xf32>
    %div3A_31 = arith.divf %div3A_30, %add3A_29 : vector<10000x128xf32>
    %max3A = arith.constant 0.000000e+00 : f32
    %max3A_32 = vector.broadcast %max3A : f32 to vector<10000x128xf32>
    %max3A_33 = arith.maximumf %add3A_24, %max3A_32 : vector<10000x128xf32>
    %mul3A = arith.mulf %div3A_31, %max3A_33 : vector<10000x128xf32>
    %sub3A = arith.constant 1.000000e+00 : f32
    %sub3A_34 = vector.broadcast %sub3A : f32 to vector<10000x128xf32>
    %sub3A_35 = arith.subf %sub3A_34, %div3A_31 : vector<10000x128xf32>
    %mul3A_36 = arith.mulf %sub3A_35, %dot_general3A_5 : vector<10000x128xf32>
    %add3A_37 = arith.addf %mul3A, %mul3A_36 : vector<10000x128xf32>
    %get3A_38 = arith.constant 0 : index
    %get3A_39 = arith.constant 0 : index
    %get3A_40 = vector.load %arg9[%get3A_38, %get3A_39] : memref<128x128xf32, #tpu.memory_space<vmem>>, vector<128x128xf32>
    %dot_general3A_41 = arith.constant dense<0.000000e+00> : vector<10000x128xf32>
    %dot_general3A_42 = tpu.matmul %add3A_37, %get3A_40, %dot_general3A_41 {dimension_numbers = #tpu.dot_dimension_numbers<[1], [1], [0], [0], [0, 0, 1, 0], [], []>, transpose_lhs_hint = false} : vector<10000x128xf32>, vector<128x128xf32>, vector<10000x128xf32> -> vector<10000x128xf32>
    %get3A_43 = arith.constant 0 : index
    %get3A_44 = arith.constant 0 : index
    %get3A_45 = vector.load %arg10[%get3A_43, %get3A_44] : memref<1x128xf32, #tpu.memory_space<vmem>>, vector<1x128xf32>
    %add3A_46 = vector.broadcast %get3A_45 : vector<1x128xf32> to vector<10000x128xf32>
    %add3A_47 = arith.addf %dot_general3A_42, %add3A_46 : vector<10000x128xf32>
    %get3A_48 = arith.constant 0 : index
    %get3A_49 = arith.constant 0 : index
    %get3A_50 = vector.load %arg7[%get3A_48, %get3A_49] : memref<128x128xf32, #tpu.memory_space<vmem>>, vector<128x128xf32>
    %dot_general3A_51 = arith.constant dense<0.000000e+00> : vector<10000x128xf32>
    %dot_general3A_52 = tpu.matmul %add3A_37, %get3A_50, %dot_general3A_51 {dimension_numbers = #tpu.dot_dimension_numbers<[1], [1], [0], [0], [0, 0, 1, 0], [], []>, transpose_lhs_hint = false} : vector<10000x128xf32>, vector<128x128xf32>, vector<10000x128xf32> -> vector<10000x128xf32>
    %get3A_53 = arith.constant 0 : index
    %get3A_54 = arith.constant 0 : index
    %get3A_55 = vector.load %arg8[%get3A_53, %get3A_54] : memref<1x128xf32, #tpu.memory_space<vmem>>, vector<1x128xf32>
    %add3A_56 = vector.broadcast %get3A_55 : vector<1x128xf32> to vector<10000x128xf32>
    %add3A_57 = arith.addf %dot_general3A_52, %add3A_56 : vector<10000x128xf32>
    %neg3A_58 = arith.constant 0.000000e+00 : f32
    %neg3A_59 = vector.broadcast %neg3A_58 : f32 to vector<10000x128xf32>
    %neg3A_60 = arith.subf %neg3A_59, %add3A_47 : vector<10000x128xf32>
    %exp3A_61 = math.exp %neg3A_60 : vector<10000x128xf32>
    %add3A_62 = arith.constant 1.000000e+00 : f32
    %add3A_63 = vector.broadcast %add3A_62 : f32 to vector<10000x128xf32>
    %add3A_64 = arith.addf %add3A_63, %exp3A_61 : vector<10000x128xf32>
    %div3A_65 = arith.constant 1.000000e+00 : f32
    %div3A_66 = vector.broadcast %div3A_65 : f32 to vector<10000x128xf32>
    %div3A_67 = arith.divf %div3A_66, %add3A_64 : vector<10000x128xf32>
    %max3A_68 = arith.constant 0.000000e+00 : f32
    %max3A_69 = vector.broadcast %max3A_68 : f32 to vector<10000x128xf32>
    %max3A_70 = arith.maximumf %add3A_57, %max3A_69 : vector<10000x128xf32>
    %mul3A_71 = arith.mulf %div3A_67, %max3A_70 : vector<10000x128xf32>
    %sub3A_72 = arith.constant 1.000000e+00 : f32
    %sub3A_73 = vector.broadcast %sub3A_72 : f32 to vector<10000x128xf32>
    %sub3A_74 = arith.subf %sub3A_73, %div3A_67 : vector<10000x128xf32>
    %mul3A_75 = arith.mulf %sub3A_74, %add3A_37 : vector<10000x128xf32>
    %add3A_76 = arith.addf %mul3A_71, %mul3A_75 : vector<10000x128xf32>
    %swap3A = arith.constant 0 : index
    %swap3A_77 = arith.constant 0 : index
    %swap3A_78 = vector.load %arg11[%swap3A, %swap3A_77] : memref<10000x128xf32, #tpu.memory_space<vmem>>, vector<10000x128xf32>
    tpu.vector_store %arg11[%swap3A, %swap3A_77], %add3A_76 {strides = array<i32>} : memref<10000x128xf32, #tpu.memory_space<vmem>>, vector<10000x128xf32>,
    return
  }
  func.func @transform_0(%arg0: i32) -> (i32, i32) {
    %c0_i32 = arith.constant 0 : i32
    %c0_i32_0 = arith.constant 0 : i32
    return %arg0, %c0_i32 : i32, i32
  }
  func.func @transform_1(%arg0: i32) -> (i32, i32) {
    %c0_i32 = arith.constant 0 : i32
    %c0_i32_0 = arith.constant 0 : i32
    %c0_i32_1 = arith.constant 0 : i32
    return %c0_i32, %c0_i32_0 : i32, i32
  }
  func.func @transform_2(%arg0: i32) -> (i32, i32) {
    %c0_i32 = arith.constant 0 : i32
    %c0_i32_0 = arith.constant 0 : i32
    %c0_i32_1 = arith.constant 0 : i32
    return %c0_i32, %c0_i32_0 : i32, i32
  }
  func.func @transform_3(%arg0: i32) -> (i32, i32) {
    %c0_i32 = arith.constant 0 : i32
    %c0_i32_0 = arith.constant 0 : i32
    %c0_i32_1 = arith.constant 0 : i32
    return %c0_i32, %c0_i32_0 : i32, i32
  }
  func.func @transform_4(%arg0: i32) -> (i32, i32) {
    %c0_i32 = arith.constant 0 : i32
    %c0_i32_0 = arith.constant 0 : i32
    %c0_i32_1 = arith.constant 0 : i32
    return %c0_i32, %c0_i32_0 : i32, i32
  }
  func.func @transform_5(%arg0: i32) -> (i32, i32) {
    %c0_i32 = arith.constant 0 : i32
    %c0_i32_0 = arith.constant 0 : i32
    %c0_i32_1 = arith.constant 0 : i32
    return %c0_i32, %c0_i32_0 : i32, i32
  }
  func.func @transform_6(%arg0: i32) -> (i32, i32) {
    %c0_i32 = arith.constant 0 : i32
    %c0_i32_0 = arith.constant 0 : i32
    %c0_i32_1 = arith.constant 0 : i32
    return %c0_i32, %c0_i32_0 : i32, i32
  }
  func.func @transform_7(%arg0: i32) -> (i32, i32) {
    %c0_i32 = arith.constant 0 : i32
    %c0_i32_0 = arith.constant 0 : i32
    %c0_i32_1 = arith.constant 0 : i32
    return %c0_i32, %c0_i32_0 : i32, i32
  }
  func.func @transform_8(%arg0: i32) -> (i32, i32) {
    %c0_i32 = arith.constant 0 : i32
    %c0_i32_0 = arith.constant 0 : i32
    %c0_i32_1 = arith.constant 0 : i32
    return %c0_i32, %c0_i32_0 : i32, i32
  }
  func.func @transform_9(%arg0: i32) -> (i32, i32) {
    %c0_i32 = arith.constant 0 : i32
    %c0_i32_0 = arith.constant 0 : i32
    %c0_i32_1 = arith.constant 0 : i32
    return %c0_i32, %c0_i32_0 : i32, i32
  }
  func.func @transform_10(%arg0: i32) -> (i32, i32) {
    %c0_i32 = arith.constant 0 : i32
    %c0_i32_0 = arith.constant 0 : i32
    return %arg0, %c0_i32 : i32, i32
  }
}

</mosaic_0001>

<sc_bundles>
// kernel: kernel.4.cloned.1.call-start
scs
__scs_entry_jumppad:
0x0: {  	(pc) =	sbr.rel $0x88, $3  }
0x1: {  	(tag) =	ssettag $0x0;
	lr =	simm.s32 $0x1  }
0x2: {  	[smem:$0x3F96] =	sst lr;
	_ =	strace $0xD0000000  }
0x3: {  	_ = 	snop  }
0x4: {  	_ = 	snop  }
0x5: {  	_ = 	snop  }
0x6: {  	_ = 	snop  }
0x7: {  	_ = 	snop  }
__scs_overlays_trampoline_lowered:
0x8: {  	[smem:$0x3FA5] =	sst s0  }
0x9: {  	[smem:$0x3FA6] =	sst s1  }
0xa: {  	[smem:$0x3FA7] =	sst s2  }
0xb: {  	[smem:$0x3FA8] =	sst s3  }
0xc: {  	[smem:$0x3FA9] =	sst s4  }
0xd: {  	[smem:$0x3FAA] =	sst s5  }
0xe: {  	[smem:$0x3FAB] =	sst s6  }
0xf: {  	[smem:$0x3FAC] =	sst s7  }
0x10: {  	[smem:$0x3FAD] =	sst s8  }
0x11: {  	[smem:$0x3FAE] =	sst s9;
	s0 =	simm.s32 @!p0 $0x0  }
0x12: {  	s1 =	sld [smem:$0x3F94];
	s0 =	simm.s32 @p0 $0x1  }
0x13: {  	[smem:$0x3FAF] =	sst s0;
	s0 =	simm.s32 @!p1 $0x0  }
0x14: {  	s2 =	sld [smem:$0x3F93];
	s0 =	simm.s32 @p1 $0x1  }
0x15: {  	[smem:$0x3FB0] =	sst s0;
	s0 =	simm.s32 @!p2 $0x0  }
0x16: {  	s3 =	sld [smem:$0x3FDB];
	s0 =	simm.s32 @p2 $0x1  }
0x17: {  	s4 =	simm.s32 $0x1BF5;
	[smem:$0x3FB2] =	sst s0  }
0x18: {  	s0 =	sld [smem:$0x3F95];
	_ =	swait.ge [sflag:s4], $0x0  }
0x19: {  	s7 =	sld [smem:$0x3F96]  }
0x1a: {  	s8 =	sadd.s32 $0xFFFFE003, lr  }
0x1b: {  	s9 =	sadd.s32 $0xFFFFFEF7, lr;
	s5 =	simm.s32 $0xFFFFFFFF;
	p2 =	slt.u32 s8, $0xFFFFF086  }
0x1c: {  	p1 =	slt.u32 s9, $0xF7A;
	s5 =	simm.s32 @!p2 $0x0  }
0x1d: {  	s5 =	simm.s32 @p1 $0x1;
	p0 =	seq.s32 s7, s2  }
0x1e: {  	s7 =	smul.u32 @!p0 $0xF7A, s2;
	p2 =	seq.s32 @!p0 s5, $0x0  }
0x1f: {  	s9 =	smul.u32 $0xF7A, s1;
	s8 =	simm.s32 @!p0 $0x1BF5;
	p2 =	por !p2, p0  }
0x20: {  	[sflag:s8] =	ssyncset.s32 @!p0 $0xFFFFF086;
	s6 =	sadd.s32 @!p0 s3, s7;
	s7 =	simm.s32 @!p0 $0x108  }
0x21: {  	s3 =	sadd.s32 s3, s9;
	s6 =	sadd.s32 @!p0 $0x88, s6;
	s7 =	simm.s32 @p2 $0x1082  }
0x22: {  	[simem:s7], [sflag:s8] =	dma.local @!p0 [hbm:s6], $0xF7A  }
0x23: {  	s9 =	sor.u32 $0xD0000000, s2;
	s6 =	simm.s32 $0x108;
	_ =	swait.ge @!p0 [sflag:s8], $0x0  }
0x24: {  	s3 =	sadd.s32 $0x88, s3;
	s6 =	simm.s32 @!p1 $0x1082;
	[sflag:s4] =	ssyncset.s32 $0xFFFFF086  }
0x25: {  	[simem:s6], [sflag:s4] =	dma.local [hbm:s3], $0xF7A  }
0x26: {  	[smem:$0x3F96] =	sst s1;
	(tag) =	ssettag s2;
	_ =	strace s9  }
0x27: {  	s1 =	sld [smem:$0x3FA6]  }
0x28: {  	s2 =	sld [smem:$0x3FA7]  }
0x29: {  	s4 =	sld [smem:$0x3FA9]  }
0x2a: {  	p0 =	seq.s32 s5, $0x0;
	s5 =	sld [smem:$0x3FAA]  }
0x2b: {  	s6 =	sld [smem:$0x3FAB]  }
0x2c: {  	s7 =	sld [smem:$0x3FAC]  }
0x2d: {  	s3 =	simm.s32 $0x108;
	s8 =	sld [smem:$0x3FAD]  }
0x2e: {  	s3 =	simm.s32 @!p0 $0x1082;
	s9 =	sld [smem:$0x3FAE]  }
0x2f: {  	lr =	sadd.s32 s0, s3;
	s0 =	sld [smem:$0x3FA5]  }
0x30: {  	s3 =	sld [smem:$0x3FA8]  }
0x31: {  	[smem:$0x3FB1] =	sst s10  }
0x32: {  	s10 =	sld [smem:$0x3FAF];
	_ =	sdelay $0x3  }
0x33: {  	p0 =	seq.s32 s10, $0x1;
	s10 =	sld [smem:$0x3FB1];
	_ =	sdelay $0x3  }
0x34: {  	[smem:$0x3FB1] =	sst s10  }
0x35: {  	s10 =	sld [smem:$0x3FB0];
	_ =	sdelay $0x3  }
0x36: {  	p1 =	seq.s32 s10, $0x1;
	s10 =	sld [smem:$0x3FB1];
	_ =	sdelay $0x3  }
0x37: {  	[smem:$0x3FB1] =	sst s10  }
0x38: {  	s10 =	sld [smem:$0x3FB2]  }
0x39: {  	_ = 	snop;
	(pc) =	sbr.ind lr, $3  }
0x3a: {  	_ = 	snop  }
0x3b: {  	_ = 	snop  }
0x3c: {  	p2 =	seq.s32 s10, $0x1;
	s10 =	sld [smem:$0x3FB1]  }
0x3d: {  	_ =	shalt  }
0x3e: {  	_ =	shalt  }
0x3f: {  	_ =	shalt  }
0x40: {  	_ =	shalt  }
0x41: {  	_ =	shalt  }
0x42: {  	_ =	shalt  }
0x43: {  	_ =	shalt  }
0x44: {  	_ =	shalt  }
0x45: {  	_ =	shalt  }
0x46: {  	_ =	shalt  }
0x47: {  	_ =	shalt  }
0x48: {  	_ =	shalt  }
0x49: {  	_ =	shalt  }
0x4a: {  	_ =	shalt  }
0x4b: {  	_ =	shalt  }
0x4c: {  	_ =	shalt  }
0x4d: {  	_ =	shalt  }
0x4e: {  	_ =	shalt  }
0x4f: {  	_ =	shalt  }
0x50: {  	_ =	shalt  }
0x51: {  	_ =	shalt  }
0x52: {  	_ =	shalt  }
0x53: {  	_ =	shalt  }
0x54: {  	_ =	shalt  }
0x55: {  	_ =	shalt  }
0x56: {  	_ =	shalt  }
0x57: {  	_ =	shalt  }
0x58: {  	_ =	shalt  }
0x59: {  	_ =	shalt  }
0x5a: {  	_ =	shalt  }
0x5b: {  	_ =	shalt  }
0x5c: {  	_ =	shalt  }
0x5d: {  	_ =	shalt  }
0x5e: {  	_ =	shalt  }
0x5f: {  	_ =	shalt  }
0x60: {  	_ =	shalt  }
0x61: {  	_ =	shalt  }
0x62: {  	_ =	shalt  }
0x63: {  	_ =	shalt  }
0x64: {  	_ =	shalt  }
0x65: {  	_ =	shalt  }
0x66: {  	_ =	shalt  }
0x67: {  	_ =	shalt  }
0x68: {  	_ =	shalt  }
0x69: {  	_ =	shalt  }
0x6a: {  	_ =	shalt  }
0x6b: {  	_ =	shalt  }
0x6c: {  	_ =	shalt  }
0x6d: {  	_ =	shalt  }
0x6e: {  	_ =	shalt  }
0x6f: {  	_ =	shalt  }
0x70: {  	_ =	shalt  }
0x71: {  	_ =	shalt  }
0x72: {  	_ =	shalt  }
0x73: {  	_ =	shalt  }
0x74: {  	_ =	shalt  }
0x75: {  	_ =	shalt  }
0x76: {  	_ =	shalt  }
0x77: {  	_ =	shalt  }
0x78: {  	_ =	shalt  }
0x79: {  	_ =	shalt  }
0x7a: {  	_ =	shalt  }
0x7b: {  	_ =	shalt  }
0x7c: {  	_ =	shalt  }
0x7d: {  	_ =	shalt  }
0x7e: {  	_ =	shalt  }
0x7f: {  	_ =	shalt  }
0x80: {  	_ =	shalt  }
0x81: {  	_ =	shalt  }
0x82: {  	_ =	shalt  }
0x83: {  	_ =	shalt  }
0x84: {  	_ =	shalt  }
0x85: {  	_ =	shalt  }
0x86: {  	_ =	shalt  }
0x87: {  	_ =	shalt  }
.Lfunc_end0:
.L_simem_size_0:
called_computation_lowered:
.L_overlay_start_0:
0x88: {  	s2 =	sld [smem:$0x3FD9]  }
0x89: {  	s3 =	sld [smem:$0x3FFE];
	_ =	sdelay $0x1  }
0x8a: {  	s1 =	srdreg.scid  }
0x8b: {  	s0 =	sand.u32 $0x1, s1  }
0x8c: {  	s17 =	sshll.u32 s0, $0xA;
	s2 =	sadd.s32 s3, s2  }
0x8d: {  	s2 =	sadd.s32 s2, s17  }
0x8e: {  	[smem:$0x3FBD] =	sst s2  }
0x8f: {  	_ = 	snop  }
0x90: {  	s2 =	sld [smem:$0x3FD0];
	(tm) =	ssettm $0x1  }
0x91: {  	s18 =	sld [smem:$0x3FFB];
	_ =	sdelay $0x3  }
0x92: {  	_ =	strace s18  }
0x93: {  	s3 =	sld [smem:$0x3FFC];
	_ =	sdelay $0x3  }
0x94: {  	_ =	strace s3  }
0x95: {  	s3 =	sld [smem:$0x3FFD];
	_ =	sdelay $0x3  }
0x96: {  	_ =	strace s3  }
0x97: {  	_ =	strace $0x8FFFFFFF  }
0x98: {  	s19 =	sld [smem:$0x3FDB];
	_ =	sdelay $0x1  }
0x99: {  	s4 =	simm.s32 $_scs_section_size  }
0x9a: {  	s5 =	simm.s32 $_size__tile_overlayer_lowered;
	s6 =	simm.s32 $_tile_overlayer_lowered  }
0x9b: {  	s22 =	simm.s32 $0x1BFF;
	s21 =	sshll.u32 s6, $0x1;
	s3 =	sadd.s32 s4, s19  }
0x9c: {  	s7 =	simm.s32 $0x0;
	s20 =	sshll.u32 s5, $0x1;
	s5 =	sadd.s32 s21, s3  }
0x9d: {  	[timem:s7], [sflag:s22] =	dma.local [hbm:s5], s20  }
0x9e: {  	_ =	swait.ge [sflag:s22], s20  }
0x9f: {  	s4 =	ssub.s32 $0x0, s20;
	[sflag:s22] =	ssyncset.done $0x0  }
0xa0: {  	[sflag:s22] =	ssyncadd.s32 s4;
	_ =	sdelay $0x1  }
0xa1: {  	s23 =	simm.s32 $0x1B8B  }
0xa2: {  	_ =	swait.ge [sflag:s23], $0x1  }
0xa3: {  	[sflag:s23] =	ssyncset.done $0x0  }
0xa4: {  	s25 =	simm.s32 $0x1B8E;
	s24 =	sld [smem:$0x3FFE];
	[sflag:s23] =	ssyncadd.s32 $0xFFFFFFFF  }
0xa5: {  	s26 =	simm.s32 $execute0_lowered;
	[smem:$0x3FD2] =	sst s25  }
0xa6: {  	s5 =	sshll.u32 s26, $0x1;
	_ =	strace $0x80000046;
	[dreg:$0x1] =	wrdreg $0xFFFFFFFF  }
0xa7: {  	s28 =	simm.s32 $_size_execute0_lowered;
	s3 =	sadd.s32 s3, s5;
	[dreg:$0x0] =	wrdreg $0x0  }
0xa8: {  	s5 =	sshll.u32 s28, $0x1;
	[dreg:$0x2] =	wrdreg s3  }
0xa9: {  	[dreg:$0x3] =	wrdreg s5  }
0xaa: {  	[dreg:$0x4] =	wrdreg $0xC0  }
0xab: {  	_ =	task [dreg:s7], $0x5FFFF  }
0xac: {  	[dreg:$0x1] =	wrdreg $0xFFFFFFFF  }
0xad: {  	[dreg:$0x0] =	wrdreg $0x60  }
0xae: {  	[dreg:$0x2] =	wrdreg s24  }
0xaf: {  	[dreg:$0x3] =	wrdreg s2  }
0xb0: {  	[dreg:$0x4] =	wrdreg $0x9  }
0xb1: {  	_ =	task.clear_ibuf [dreg:s7], $0x5FFFF;
	_ =	strace $0x90000046  }
0xb2: {  	s29 =	simm.s32 $0x9;
	_ =	strace $0x80000048  }
0xb3: {  	_ =	swait.ge [sflag:s29], $0x1  }
0xb4: {  	[sflag:s29] =	ssyncadd.s32 $0xFFFFFFFF  }
0xb5: {  	_ =	strace $0x90000048  }
0xb6: {  	_ =	sfence  }
0xb7: {  	s30 =	sld [smem:$0x0];
	_ =	sdelay $0x2  }
0xb8: {  	s31 =	sshll.u32 s1, $0xD;
	s1 =	sshrl.u32 s1, $0x2  }
0xb9: {  	s3 =	sand.u32 $0x4000, s31;
	s1 =	sadd.s32 s1, s30  }
0xba: {  	s0 =	sor.u32 s3, s0;
	s1 =	sshll.u32 s1, $0x11  }
0xbb: {  	s0 =	sor.u32 s1, s0  }
0xbc: {  	s0 =	sadd.s32 $0x8F2B, s0  }
0xbd: {  	[sflag:s0] =	ssyncadd.remote.s32 $0x1  }
0xbe: {  	_ =	sfence.sel $0xFFFF  }
0xbf: {  	[dreg:$0x0] =	wrdreg $0xFFFFFFFF;
	(pc) =	sbr.abs _section_cstart, $3  }
0xc0: {  	[dreg:$0x1] =	wrdreg $0xFFFFFFFF  }
0xc1: {  	_ =	task.clear_ibuf [dreg:s7], $0x2FFFF;
	_ =	strace $0x9FFFFFFF  }
0xc2: {  	(tm) =	ssettm $0x7FFFFFFF  }
0xc3: {  	_ =	shalt  }
tec
execute0_lowered:
.L_overlay_start_1:
0x0: {  	(tag) =	ssettag $0x1  }
0x1: {  	s0 =	srdreg.scid  }
0x2: {  	s6 =	stileid.u32;
	s1 =	rddreg [dreg:$0x0]  }
0x3: {  	s4 =	rddreg [dreg:$0x1];
	s19 =	simm.s32 $0x3400;
	s21 =	simm.s32 $0x5400  }
0x4: {  	s15 =	simm.s32 $0x7400;
	s17 =	simm.s32 $0x9400;
	s23 =	simm.s32 $0xB400  }
0x5: {  	s28 =	simm.s32 $0xF400;
	s29 =	simm.s32 $0x11400;
	s30 =	simm.s32 $0x13400  }
0x6: {  	s31 =	simm.s32 $0x3;
	s10 =	simm.s32 $0x6;
	s12 =	simm.s32 $0x7  }
0x7: {  	s14 =	simm.s32 $0x8;
	s16 =	simm.s32 $0x9;
	s18 =	simm.s32 $0xA  }
0x8: {  	s20 =	simm.s32 $0xB;
	s22 =	simm.s32 $0xC;
	s24 =	simm.s32 $0xD  }
0x9: {  	s9 =	simm.s32 $0x13;
	s0 =	sand.u32 $0x1, s0;
	s2 =	sshll.u32 s6, $0x1  }
0xa: {  	s11 =	simm.s32 $0x14;
	s6 =	smul.u32 $0x32000, s6;
	s3 =	sor.u32 s0, s2  }
0xb: {  	s2 =	simm.s32 $0x0;
	s7 =	ssub.s32 $0x2, s0;
	s0 =	smul.u32 $0x19000, s0  }
0xc: {  	s13 =	simm.s32 $0x0;
	s5 =	smul.u32 $0x680, s3;
	[smem:$0x7FF] =	sst s2  }
0xd: {  	s3 =	sadd.s32 $0xE600, s1;
	s8 =	sshrl.u32 s7, $0x1;
	s4 =	sadd.s32 s6, s4  }
0xe: {  	s6 =	simm.s32 $0x11;
	_ =	strace $0x80000047;
	s25 =	ssub.s32 s7, s8  }
0xf: {  	s0 =	sadd.s32 s0, s4;
	s8 =	simm.s32 $0x40;
	s4 =	simm.s32 $0xF  }
.Ltmp0:
0x10: {  	s7 =	simm.s32 $0x12;
	[dreg:$0x6] =	wrdreg s13;
	(pc) =	sbr.rel .LBB2_1-.Ltmp0, $4  }
0x11: {  	s1 =	sadd.s32 s5, s1;
	s26 =	smax.u32 s25, $0x1;
	s0 =	sadd.s32 $0x2400, s0  }
0x12: {  	s25 =	simm.s32 $0xD400;
	s5 =	simm.s32 $0x10;
	[dreg:$0x4] =	wrdreg s26  }
0x13: {  	s1 =	sadd.s32 $0x1600, s1;
	[dreg:$0x5] =	wrdreg s0;
	s0 =	simm.s32 $0x5  }
0x14: {  	s26 =	simm.s32 $0xE;
	[dreg:$0x3] =	wrdreg s1;
	s1 =	simm.s32 $0x4  }
.LBB2_4:
0x15: {  	_ =	swait.ge [sflag:s22], $0x2000  }
0x16: {  	[sflag:s22] =	ssyncset.done $0x0  }
0x17: {  	[sflag:s22] =	ssyncadd.s32 $0xFFFFE000  }
0x18: {  	_ =	swait.ge [sflag:s24], $0x2000  }
0x19: {  	[sflag:s24] =	ssyncset.done $0x0  }
0x1a: {  	[sflag:s24] =	ssyncadd.s32 $0xFFFFE000  }
0x1b: {  	_ =	swait.ge [sflag:s26], $0x2000  }
0x1c: {  	[sflag:s26] =	ssyncset.done $0x0  }
0x1d: {  	[sflag:s26] =	ssyncadd.s32 $0xFFFFE000  }
0x1e: {  	_ =	swait.ge [sflag:s4], $0x2000  }
0x1f: {  	[sflag:s4] =	ssyncset.done $0x0  }
0x20: {  	[sflag:s4] =	ssyncadd.s32 $0xFFFFE000  }
0x21: {  	_ =	swait.ge [sflag:s5], $0x2000  }
0x22: {  	[sflag:s5] =	ssyncset.done $0x0  }
0x23: {  	[sflag:s5] =	ssyncadd.s32 $0xFFFFE000  }
0x24: {  	_ =	swait.ge [sflag:s6], $0x2000  }
0x25: {  	[sflag:s6] =	ssyncset.done $0x0  }
0x26: {  	[sflag:s6] =	ssyncadd.s32 $0xFFFFE000  }
0x27: {  	_ =	swait.ge [sflag:s7], $0x2000  }
0x28: {  	[sflag:s7] =	ssyncset.done $0x0  }
0x29: {  	[sflag:s7] =	ssyncadd.s32 $0xFFFFE000  }
0x2a: {  	_ =	swait.ge [sflag:s9], $0x2000  }
0x2b: {  	[sflag:s9] =	ssyncset.done $0x0  }
0x2c: {  	[sflag:s9] =	ssyncadd.s32 $0xFFFFE000  }
0x2d: {  	_ =	swait.ge [sflag:s11], $0x2000  }
0x2e: {  	s15 =	rddreg [dreg:$0x6]  }
0x2f: {  	s13 =	rddreg [dreg:$0x4];
	s15 =	sadd.s32 $0x1, s15  }
0x30: {  	p0 =	sne.s32 s15, s13  }
.Ltmp1:
0x31: {  	_ = 	snop;
	(pc) =	sbr.rel @!p0 .LBB2_5-.Ltmp1, $4  }
0x32: {  	s17 =	simm.s32 $0x9400  }
0x33: {  	s23 =	simm.s32 $0xB400;
	s25 =	simm.s32 $0xD400;
	s28 =	simm.s32 $0xF400  }
0x34: {  	s29 =	simm.s32 $0x11400;
	s30 =	simm.s32 $0x13400;
	[sflag:s11] =	ssyncset.done $0x0  }
0x35: {  	[sflag:s11] =	ssyncadd.s32 $0xFFFFE000;
	[dreg:$0x6] =	wrdreg s15;
	s15 =	simm.s32 $0x7400  }
.LBB2_1:
0x36: {  	s13 =	rddreg [dreg:$0x3]  }
0x37: {  	[tilespmem:s2], [sflag:$0x15] =	stream.linear.gather [hbm4b:s13+s2], $0x3200, $0x38;
	[tilespmem:$0x17400] =	vst v63  }
0x38: {  	s13 =	simm.s32 $0x15  }
0x39: {  	_ =	swait.ge [sflag:s13], $0x3200  }
0x3a: {  	[sflag:s13] =	ssyncset.done $0x0  }
0x3b: {  	[sflag:s13] =	ssyncadd.s32 $0xFFFFCE00  }
0x3c: {  	[tilespmem:s19], [sflag:$0x1] =	stream.indirect.gather [hbm4b:s3+s8], $0x80, s2, s8, $0xb8;
	[tilespmem:$0x17400] =	vst v63  }
0x3d: {  	s13 =	simm.s32 $0x80  }
0x3e: {  	[tilespmem:s21], [sflag:$0x2] =	stream.indirect.gather [hbm4b:s3+s8], $0x80, s13, s8, $0xb8;
	[tilespmem:$0x17400] =	vst v63  }
0x3f: {  	s13 =	simm.s32 $0x100  }
0x40: {  	[tilespmem:s15], [sflag:$0x3] =	stream.indirect.gather [hbm4b:s3+s8], $0x80, s13, s8, $0xb8;
	[tilespmem:$0x17400] =	vst v63  }
0x41: {  	s15 =	simm.s32 $0x180  }
0x42: {  	[tilespmem:s17], [sflag:$0x4] =	stream.indirect.gather [hbm4b:s3+s8], $0x80, s15, s8, $0xb8;
	[tilespmem:$0x17400] =	vst v63  }
0x43: {  	s17 =	simm.s32 $0x200  }
0x44: {  	[tilespmem:s23], [sflag:$0x5] =	stream.indirect.gather [hbm4b:s3+s8], $0x80, s17, s8, $0xb8;
	[tilespmem:$0x17400] =	vst v63  }
0x45: {  	s23 =	simm.s32 $0x280  }
0x46: {  	[tilespmem:s25], [sflag:$0x6] =	stream.indirect.gather [hbm4b:s3+s8], $0x80, s23, s8, $0xb8;
	[tilespmem:$0x17400] =	vst v63  }
0x47: {  	s15 =	simm.s32 $0x300  }
0x48: {  	[tilespmem:s28], [sflag:$0x7] =	stream.indirect.gather [hbm4b:s3+s8], $0x80, s15, s8, $0xb8;
	[tilespmem:$0x17400] =	vst v63  }
0x49: {  	s17 =	simm.s32 $0x380  }
0x4a: {  	[tilespmem:s29], [sflag:$0x8] =	stream.indirect.gather [hbm4b:s3+s8], $0x80, s17, s8, $0xb8;
	[tilespmem:$0x17400] =	vst v63  }
0x4b: {  	s13 =	rddreg [dreg:$0x5];
	s23 =	simm.s32 $0x400;
	s25 =	simm.s32 $0x480  }
0x4c: {  	[tilespmem:s30], [sflag:$0x9] =	stream.indirect.gather [hbm4b:s3+s8], $0x80, s23, s8, $0xb8;
	[tilespmem:$0x17400] =	vst v63  }
0x4d: {  	s28 =	simm.s32 $0x15400;
	s15 =	simm.s32 $0x0;
	s29 =	simm.s32 $0xD400  }
0x4e: {  	[tilespmem:s28], [sflag:$0xA] =	stream.indirect.gather [hbm4b:s3+s8], $0x80, s25, s8, $0xb8;
	[tilespmem:$0x17400] =	vst v63  }
0x4f: {  	s23 =	simm.s32 $0x13400;
	s30 =	simm.s32 $0x11400;
	s25 =	simm.s32 $0x9400  }
.LBB2_2:
0x50: {  	s17 =	simm.s32 $0x1  }
0x51: {  	_ =	swait.ge [sflag:s17], $0x2000  }
0x52: {  	[sflag:s17] =	ssyncset.done $0x0  }
0x53: {  	s28 =	sadd.s32 $0xFFFFDC00, s13;
	[sflag:s17] =	ssyncadd.s32 $0xFFFFE000  }
0x54: {  	[hbm4b:s28+s2] =	stream.linear.scatter [tilespmem:s19], [sflag:$0xB], $0x2000, $0x38;
	[tilespmem:$0x17400] =	vst v63  }
0x55: {  	s28 =	simm.s32 $0x2  }
0x56: {  	_ =	swait.ge [sflag:s28], $0x2000  }
0x57: {  	[sflag:s28] =	ssyncset.done $0x0  }
0x58: {  	[sflag:s28] =	ssyncadd.s32 $0xFFFFE000;
	s28 =	sadd.s32 $0xFFFFE000, s13  }
0x59: {  	[hbm4b:s28+s2] =	stream.linear.scatter [tilespmem:s21], [sflag:$0xC], $0x2000, $0x38;
	[tilespmem:$0x17400] =	vst v63  }
0x5a: {  	_ =	swait.ge [sflag:s31], $0x2000  }
0x5b: {  	[sflag:s31] =	ssyncset.done $0x0  }
0x5c: {  	s17 =	sadd.s32 $0xFFFFE400, s13;
	s28 =	simm.s32 $0x7400;
	[sflag:s31] =	ssyncadd.s32 $0xFFFFE000  }
0x5d: {  	[hbm4b:s17+s2] =	stream.linear.scatter [tilespmem:s28], [sflag:$0xD], $0x2000, $0x38;
	[tilespmem:$0x17400] =	vst v63  }
0x5e: {  	_ =	swait.ge [sflag:s1], $0x2000  }
0x5f: {  	[sflag:s1] =	ssyncset.done $0x0  }
0x60: {  	s28 =	sadd.s32 $0xFFFFE800, s13;
	[sflag:s1] =	ssyncadd.s32 $0xFFFFE000  }
0x61: {  	[hbm4b:s28+s2] =	stream.linear.scatter [tilespmem:s25], [sflag:$0xE], $0x2000, $0x38;
	[tilespmem:$0x17400] =	vst v63  }
0x62: {  	_ =	swait.ge [sflag:s0], $0x2000  }
0x63: {  	[sflag:s0] =	ssyncset.done $0x0  }
0x64: {  	s17 =	sadd.s32 $0xFFFFEC00, s13;
	s28 =	simm.s32 $0xB400;
	[sflag:s0] =	ssyncadd.s32 $0xFFFFE000  }
0x65: {  	[hbm4b:s17+s2] =	stream.linear.scatter [tilespmem:s28], [sflag:$0xF], $0x2000, $0x38;
	[tilespmem:$0x17400] =	vst v63  }
0x66: {  	_ =	swait.ge [sflag:s10], $0x2000  }
0x67: {  	[sflag:s10] =	ssyncset.done $0x0  }
0x68: {  	s28 =	sadd.s32 $0xFFFFF000, s13;
	[sflag:s10] =	ssyncadd.s32 $0xFFFFE000  }
0x69: {  	[hbm4b:s28+s2] =	stream.linear.scatter [tilespmem:s29], [sflag:$0x10], $0x2000, $0x38;
	[tilespmem:$0x17400] =	vst v63  }
0x6a: {  	_ =	swait.ge [sflag:s12], $0x2000  }
0x6b: {  	[sflag:s12] =	ssyncset.done $0x0  }
0x6c: {  	s17 =	sadd.s32 $0xFFFFF400, s13;
	s28 =	simm.s32 $0xF400;
	[sflag:s12] =	ssyncadd.s32 $0xFFFFE000  }
0x6d: {  	[hbm4b:s17+s2] =	stream.linear.scatter [tilespmem:s28], [sflag:$0x11], $0x2000, $0x38;
	[tilespmem:$0x17400] =	vst v63  }
0x6e: {  	_ =	swait.ge [sflag:s14], $0x2000  }
0x6f: {  	[sflag:s14] =	ssyncset.done $0x0  }
0x70: {  	s28 =	sadd.s32 $0xFFFFF800, s13;
	[sflag:s14] =	ssyncadd.s32 $0xFFFFE000  }
0x71: {  	[hbm4b:s28+s2] =	stream.linear.scatter [tilespmem:s30], [sflag:$0x12], $0x2000, $0x38;
	[tilespmem:$0x17400] =	vst v63  }
0x72: {  	_ =	swait.ge [sflag:s16], $0x2000  }
0x73: {  	[sflag:s16] =	ssyncset.done $0x0  }
0x74: {  	s28 =	sadd.s32 $0xFFFFFC00, s13;
	[sflag:s16] =	ssyncadd.s32 $0xFFFFE000  }
0x75: {  	[hbm4b:s28+s2] =	stream.linear.scatter [tilespmem:s23], [sflag:$0x13], $0x2000, $0x38;
	[tilespmem:$0x17400] =	vst v63  }
0x76: {  	_ =	swait.ge [sflag:s18], $0x2000  }
0x77: {  	p0 =	seq.s32 s15, $0xB400;
	[sflag:s18] =	ssyncset.done $0x0  }
.Ltmp2:
0x78: {  	s28 =	simm.s32 $0x15400;
	[sflag:s18] =	ssyncadd.s32 $0xFFFFE000;
	(pc) =	sbr.rel @p0 .LBB2_4-.Ltmp2, $4  }
0x79: {  	[hbm4b:s13+s2] =	stream.linear.scatter [tilespmem:s28], [sflag:$0x14], $0x2000, $0x38;
	[tilespmem:$0x17400] =	vst v63  }
0x7a: {  	_ =	swait.ge [sflag:s20], $0x2000  }
0x7b: {  	[sflag:s20] =	ssyncset.done $0x0  }
0x7c: {  	[sflag:s20] =	ssyncadd.s32 $0xFFFFE000  }
0x7d: {  	s17 =	sshra.s32 s15, $0x2  }
0x7e: {  	s21 =	simm.s32 $0x3400;
	s19 =	sadd.s32 $0x500, s17  }
0x7f: {  	[tilespmem:s21], [sflag:$0x1] =	stream.indirect.gather [hbm4b:s3+s8], $0x80, s19, s8, $0xb8;
	[tilespmem:$0x17400] =	vst v63  }
0x80: {  	_ =	swait.ge [sflag:s22], $0x2000  }
0x81: {  	[sflag:s22] =	ssyncset.done $0x0  }
0x82: {  	s28 =	sadd.s32 $0x580, s17;
	s21 =	simm.s32 $0x5400;
	[sflag:s22] =	ssyncadd.s32 $0xFFFFE000  }
0x83: {  	[tilespmem:s21], [sflag:$0x2] =	stream.indirect.gather [hbm4b:s3+s8], $0x80, s28, s8, $0xb8;
	[tilespmem:$0x17400] =	vst v63  }
0x84: {  	_ =	swait.ge [sflag:s24], $0x2000  }
0x85: {  	[sflag:s24] =	ssyncset.done $0x0  }
0x86: {  	s19 =	sadd.s32 $0x600, s17;
	s28 =	simm.s32 $0x7400;
	[sflag:s24] =	ssyncadd.s32 $0xFFFFE000  }
0x87: {  	[tilespmem:s28], [sflag:$0x3] =	stream.indirect.gather [hbm4b:s3+s8], $0x80, s19, s8, $0xb8;
	[tilespmem:$0x17400] =	vst v63  }
0x88: {  	_ =	swait.ge [sflag:s26], $0x2000  }
0x89: {  	[sflag:s26] =	ssyncset.done $0x0  }
0x8a: {  	s28 =	sadd.s32 $0x680, s17;
	[sflag:s26] =	ssyncadd.s32 $0xFFFFE000  }
0x8b: {  	[tilespmem:s25], [sflag:$0x4] =	stream.indirect.gather [hbm4b:s3+s8], $0x80, s28, s8, $0xb8;
	[tilespmem:$0x17400] =	vst v63  }
0x8c: {  	_ =	swait.ge [sflag:s4], $0x2000  }
0x8d: {  	[sflag:s4] =	ssyncset.done $0x0  }
0x8e: {  	s19 =	sadd.s32 $0x700, s17;
	s28 =	simm.s32 $0xB400;
	[sflag:s4] =	ssyncadd.s32 $0xFFFFE000  }
0x8f: {  	[tilespmem:s28], [sflag:$0x5] =	stream.indirect.gather [hbm4b:s3+s8], $0x80, s19, s8, $0xb8;
	[tilespmem:$0x17400] =	vst v63  }
0x90: {  	_ =	swait.ge [sflag:s5], $0x2000  }
0x91: {  	[sflag:s5] =	ssyncset.done $0x0  }
0x92: {  	s28 =	sadd.s32 $0x780, s17;
	[sflag:s5] =	ssyncadd.s32 $0xFFFFE000  }
0x93: {  	[tilespmem:s29], [sflag:$0x6] =	stream.indirect.gather [hbm4b:s3+s8], $0x80, s28, s8, $0xb8;
	[tilespmem:$0x17400] =	vst v63  }
0x94: {  	_ =	swait.ge [sflag:s6], $0x2000  }
0x95: {  	[sflag:s6] =	ssyncset.done $0x0  }
0x96: {  	s19 =	sadd.s32 $0x800, s17;
	s28 =	simm.s32 $0xF400;
	[sflag:s6] =	ssyncadd.s32 $0xFFFFE000  }
0x97: {  	[tilespmem:s28], [sflag:$0x7] =	stream.indirect.gather [hbm4b:s3+s8], $0x80, s19, s8, $0xb8;
	[tilespmem:$0x17400] =	vst v63  }
0x98: {  	_ =	swait.ge [sflag:s7], $0x2000  }
0x99: {  	[sflag:s7] =	ssyncset.done $0x0  }
0x9a: {  	s28 =	sadd.s32 $0x880, s17;
	[sflag:s7] =	ssyncadd.s32 $0xFFFFE000  }
0x9b: {  	[tilespmem:s30], [sflag:$0x8] =	stream.indirect.gather [hbm4b:s3+s8], $0x80, s28, s8, $0xb8;
	[tilespmem:$0x17400] =	vst v63  }
0x9c: {  	_ =	swait.ge [sflag:s9], $0x2000  }
0x9d: {  	[sflag:s9] =	ssyncset.done $0x0  }
0x9e: {  	s28 =	sadd.s32 $0x900, s17;
	[sflag:s9] =	ssyncadd.s32 $0xFFFFE000  }
0x9f: {  	[tilespmem:s23], [sflag:$0x9] =	stream.indirect.gather [hbm4b:s3+s8], $0x80, s28, s8, $0xb8;
	[tilespmem:$0x17400] =	vst v63  }
.Ltmp3:
0xa0: {  	_ = 	snop;
	(pc) =	sbr.rel .LBB2_2-.Ltmp3, $4  }
0xa1: {  	s15 =	sadd.s32 $0x1400, s15;
	_ =	swait.ge [sflag:s11], $0x2000  }
0xa2: {  	s13 =	sadd.s32 $0x2800, s13;
	s19 =	simm.s32 $0x3400;
	[sflag:s11] =	ssyncset.done $0x0  }
0xa3: {  	s17 =	sadd.s32 $0x980, s17;
	s28 =	simm.s32 $0x15400;
	[sflag:s11] =	ssyncadd.s32 $0xFFFFE000  }
0xa4: {  	[tilespmem:s28], [sflag:$0xA] =	stream.indirect.gather [hbm4b:s3+s8], $0x80, s17, s8, $0xb8;
	[tilespmem:$0x17400] =	vst v63  }
.LBB2_5:
0xa5: {  	_ =	sfence.sel $0x180000  }
0xa6: {  	[bflag:$0x0] =	sbarrier.arrive $0xFFFF  }
0xa7: {  	_ =	strace $0x90000047  }
0xa8: {  	s0 =	stileid.u32;
	[bflag:$0x2] =	sbarrier.arrive $0xFFFF  }
0xa9: {  	p0 =	sne.s32 s0, $0x0;
	s0 =	rddreg [dreg:$0x2]  }
0xaa: {  	s0 =	sadd.s32 @!p0 $0x100000, s0  }
0xab: {  	[sflag:s0] =	ssyncadd.tile.s32 @!p0 $0x1;
	_ =	shalt  }
.Lfunc_end2:
_tile_overlayer_lowered:
.L_overlay_start_2:
0xac: {  	(tag) =	ssettag $0x2  }
0xad: {  	s0 =	rddreg [dreg:$0x0];
	s2 =	stileid.u32  }
0xae: {  	s1 =	rddreg [dreg:$0x1];
	p0 =	sne.s32 s2, $0x0  }
0xaf: {  	s3 =	rddreg [dreg:$0x2];
	[bflag:$0x3] =	sbarrier.arrive $0xFFFF;
	s2 =	simm.s32 @!p0 $0x1C15  }
0xb0: {  	[timem:s3], [sflag:s2] =	dma.local @!p0 [hbm:s0], s1  }
0xb1: {  	s0 =	simm.s32 @!p0 $0x15  }
0xb2: {  	_ =	swait.ge @!p0 [sflag:s0], s1  }
0xb3: {  	s1 =	ssub.s32 @!p0 $0x0, s1;
	[sflag:s0] =	ssyncset.done @!p0 $0x0  }
0xb4: {  	[sflag:s0] =	ssyncadd.s32 @!p0 s1  }
0xb5: {  	[bflag:$0x3] =	sbarrier.arrive $0xFFFF  }
0xb6: {  	_ =	shalt  }

</sc_bundles>
